<compile_context>
chip_gen: v7x
topology: tpu7x:2x2x1
jax: 0.10.2.dev20260603
libtpu: 0.0.44.dev20260713+nightly
codegen_flags: <defaults>
</compile_context>

<pallas_src>
import functools

import jax
import jax.numpy as jnp
from jax import lax
from jax.experimental import pallas as pl
from jax.experimental.pallas import tpu as pltpu
from jax.experimental.pallas import tpu_sc as plsc

N1 = 2048
N2 = 8192
B = 512
D = 128
HID = 128

_F32 = jnp.float32

_L = 16


@functools.lru_cache(maxsize=None)
def _make_sc_gather_l1():
    info = plsc.get_sparse_core_info()
    NC, NS = info.num_cores, info.num_subcores
    NW = NC * NS
    B_ = 2 * (N2 + N1)
    b_per_w = B_ // NW
    CH = 128
    n_ch = b_per_w // CH
    mesh = plsc.VectorSubcoreMesh(core_axis_name="c", subcore_axis_name="s")

    @functools.partial(
        pl.kernel,
        mesh=mesh,
        out_type=jax.ShapeDtypeStruct((B_, D), _F32),
        scratch_types=[
            pltpu.VMEM((n_ch, CH), jnp.int32),
            pltpu.VMEM((b_per_w, D), _F32),
            pltpu.SemaphoreType.DMA,
        ],
    )
    def gather(feat_hbm, idx_hbm, out_hbm, idx_v, rows_v, sem):
        wid = lax.axis_index("s") * NC + lax.axis_index("c")
        pltpu.sync_copy(idx_hbm.at[wid], idx_v)
        cps = [
            pltpu.async_copy(
                feat_hbm.at[idx_v.at[j]], rows_v.at[pl.ds(j * CH, CH)], sem
            )
            for j in range(n_ch)
        ]
        for c in cps:
            c.wait()
        pltpu.sync_copy(rows_v, out_hbm.at[pl.ds(wid * b_per_w, b_per_w)])

    def run(features, idx3d):
        return gather(features, idx3d)

    return run, NW, n_ch, CH


@functools.lru_cache(maxsize=None)
def _make_sc_gather_l2():
    info = plsc.get_sparse_core_info()
    NC, NS = info.num_cores, info.num_subcores
    NW = NC * NS
    B_ = N1 + B
    b_per_w = B_ // NW
    mesh = plsc.VectorSubcoreMesh(core_axis_name="c", subcore_axis_name="s")

    @functools.partial(
        pl.kernel,
        mesh=mesh,
        out_type=jax.ShapeDtypeStruct((B_, HID), _F32),
        scratch_types=[
            pltpu.VMEM((1, b_per_w), jnp.int32),
            pltpu.VMEM((b_per_w, HID), _F32),
            pltpu.SemaphoreType.DMA,
        ],
    )
    def gather(t_hbm, idx_hbm, out_hbm, idx_v, rows_v, sem):
        wid = lax.axis_index("s") * NC + lax.axis_index("c")
        pltpu.sync_copy(idx_hbm.at[wid], idx_v)
        pltpu.async_copy(t_hbm.at[idx_v.at[0]], rows_v, sem).wait()
        pltpu.sync_copy(rows_v, out_hbm.at[pl.ds(wid * b_per_w, b_per_w)])

    def run(t, idx_all):
        return gather(t, idx_all.reshape(NW, 1, b_per_w))

    return run


def _l1_body(KB, m1_ref, src_ref, dst_ref, w_ref, av_ref, out_ref, acc_ref):
    k = pl.program_id(0)

    @pl.when(k == 0)
    def _():
        acc_ref[...] = jnp.zeros_like(acc_ref)

    acc_ref[...] += jnp.dot(m1_ref[...], src_ref[...], preferred_element_type=_F32)

    @pl.when(k == KB - 1)
    def _():
        w = w_ref[...]
        h = jnp.dot(acc_ref[...], w[:D, :], preferred_element_type=_F32)
        h += jnp.dot(dst_ref[...], w[D:, :], preferred_element_type=_F32)
        logits = jnp.dot(h, av_ref[:HID, :], preferred_element_type=_F32)
        e = jnp.exp(logits - jnp.max(logits))
        out_ref[...] = (e / jnp.sum(e)) * h


def _l1_call(m1, rows, W1, av, src_blk0, dst_blk0, BK=1024):
    KB = N2 // BK
    return pl.pallas_call(
        functools.partial(_l1_body, KB),
        grid=(KB,),
        in_specs=[
            pl.BlockSpec((N1, BK), lambda k: (0, k)),
            pl.BlockSpec((BK, D), lambda k: (src_blk0 + k, 0)),
            pl.BlockSpec((N1, D), lambda k: (dst_blk0, 0)),
            pl.BlockSpec((2 * D, HID), lambda k: (0, 0)),
            pl.BlockSpec((2 * HID, 1), lambda k: (0, 0)),
        ],
        out_specs=pl.BlockSpec((N1, HID), lambda k: (0, 0)),
        out_shape=jax.ShapeDtypeStruct((N1, HID), _F32),
        scratch_shapes=[pltpu.VMEM((N1, HID), _F32)],
    )(m1, rows, rows, W1, av)


def _l2_body(KB2, g0s_ref, g0d_ref, g1s_ref, g1d_ref, m20_ref, m21_ref,
             w_ref, av_ref, wc_ref, out_ref, acc0_ref, acc1_ref):
    k = pl.program_id(0)

    @pl.when(k == 0)
    def _():
        acc0_ref[...] = jnp.zeros_like(acc0_ref)
        acc1_ref[...] = jnp.zeros_like(acc1_ref)

    acc0_ref[...] += jnp.dot(m20_ref[...], g0s_ref[...], preferred_element_type=_F32)
    acc1_ref[...] += jnp.dot(m21_ref[...], g1s_ref[...], preferred_element_type=_F32)

    @pl.when(k == KB2 - 1)
    def _():
        w = w_ref[...]
        av0 = av_ref[:HID, :]

        def rel(aggf, dst2):
            h = jnp.dot(aggf, w[:HID, :], preferred_element_type=_F32)
            h += jnp.dot(dst2, w[HID:, :], preferred_element_type=_F32)
            logits = jnp.dot(h, av0, preferred_element_type=_F32)
            e = jnp.exp(logits - jnp.max(logits))
            return (e / jnp.sum(e)) * h

        s = rel(acc0_ref[...], g0d_ref[...]) + rel(acc1_ref[...], g1d_ref[...])
        s *= lax.rsqrt(jnp.maximum(jnp.sum(s * s, axis=1, keepdims=True), 1e-12))
        p = jnp.dot(s, wc_ref[...], preferred_element_type=_F32)
        ep = jnp.exp(p - jnp.max(p, axis=1, keepdims=True))
        out_ref[...] = ep / jnp.sum(ep, axis=1, keepdims=True)


def _l2_call(g0, g1, m20, m21, W2, av, W_cls, BK2=512):
    C = W_cls.shape[1]
    KB2 = N1 // BK2
    return pl.pallas_call(
        functools.partial(_l2_body, KB2),
        grid=(KB2,),
        in_specs=[
            pl.BlockSpec((BK2, HID), lambda k: (k, 0)),
            pl.BlockSpec((B, HID), lambda k: (N1 // B, 0)),
            pl.BlockSpec((BK2, HID), lambda k: (k, 0)),
            pl.BlockSpec((B, HID), lambda k: (N1 // B, 0)),
            pl.BlockSpec((B, BK2), lambda k: (0, k)),
            pl.BlockSpec((B, BK2), lambda k: (0, k)),
            pl.BlockSpec((2 * HID, HID), lambda k: (0, 0)),
            pl.BlockSpec((2 * HID, 1), lambda k: (0, 0)),
            pl.BlockSpec((HID, C), lambda k: (0, 0)),
        ],
        out_specs=pl.BlockSpec((B, C), lambda k: (0, 0)),
        out_shape=jax.ShapeDtypeStruct((B, C), _F32),
        scratch_shapes=[pltpu.VMEM((B, HID), _F32), pltpu.VMEM((B, HID), _F32)],
    )(g0, g0, g1, g1, m20, m21, W2, av, W_cls)


def kernel(features, src_nodes_r0, dstsrc2src_l1_r0, dstsrc2dst_l1_r0,
           dif_mat_l1_r0, dstsrc2src_l2_r0, dstsrc2dst_l2_r0, dif_mat_l2_r0,
           src_nodes_r1, dstsrc2src_l1_r1, dstsrc2dst_l1_r1, dif_mat_l1_r1,
           dstsrc2src_l2_r1, dstsrc2dst_l2_r1, dif_mat_l2_r1,
           relation_vectors, attention_vec, W1, W2, W_cls):
    del relation_vectors

    gather_l1, NW, n_ch, CH = _make_sc_gather_l1()
    sn_cat = jnp.concatenate([src_nodes_r0, src_nodes_r1])
    s_cat = jnp.concatenate([
        dstsrc2src_l1_r0, dstsrc2dst_l1_r0,
        dstsrc2src_l1_r1 + N2, dstsrc2dst_l1_r1 + N2,
    ])
    idx_a = sn_cat.at[s_cat.reshape(NW, n_ch, CH)].get(
        mode="promise_in_bounds")
    rows = gather_l1(features, idx_a)

    x1_r0 = _l1_call(dif_mat_l1_r0, rows, W1, attention_vec, 0, 4)
    x1_r1 = _l1_call(dif_mat_l1_r1, rows, W1, attention_vec, 10, 9)

    g2 = _make_sc_gather_l2()
    g_r0 = g2(x1_r0, jnp.concatenate([dstsrc2src_l2_r0, dstsrc2dst_l2_r0]))
    g_r1 = g2(x1_r1, jnp.concatenate([dstsrc2src_l2_r1, dstsrc2dst_l2_r1]))

    return _l2_call(g_r0, g_r1, dif_mat_l2_r0, dif_mat_l2_r1,
                    W2, attention_vec, W_cls)

# --- scband reference (transcript-rebuilt; emitter-appended) ---
"""Pipeline reference for scband-graph-consis-27977416966331 (READ-ONLY COPY).

The authoritative reference and input builder live on the scoring server;
editing this copy changes nothing except your own understanding.
"""

import jax, jax.numpy as jnp
import numpy as np

N_NODES = 50000
D = 128
HID = 128
B = 512
N1 = 2048
N2 = 8192
R = 2
C = 2


def setup_inputs(seed: int = 0) -> dict:
    key = jax.random.key(seed)
    ks = jax.random.split(key, 32)
    inp = {}
    inp["features"] = jax.random.normal(ks[0], (N_NODES, D), dtype=jnp.float32)
    for r in range(R):
        o = 1 + r * 7
        inp["src_nodes_r%d" % r] = jax.random.randint(ks[o], (N2,), 0, N_NODES)
        inp["dstsrc2src_l1_r%d" % r] = jax.random.randint(ks[o + 1], (N2,), 0, N2)
        inp["dstsrc2dst_l1_r%d" % r] = jax.random.randint(ks[o + 2], (N1,), 0, N2)
        inp["dif_mat_l1_r%d" % r] = jax.random.uniform(ks[o + 3], (N1, N2), dtype=jnp.float32)
        inp["dstsrc2src_l2_r%d" % r] = jax.random.randint(ks[o + 4], (N1,), 0, N1)
        inp["dstsrc2dst_l2_r%d" % r] = jax.random.randint(ks[o + 5], (B,), 0, N1)
        inp["dif_mat_l2_r%d" % r] = jax.random.uniform(ks[o + 6], (B, N1), dtype=jnp.float32)
    inp["relation_vectors"] = jax.random.uniform(ks[20], (R, HID), dtype=jnp.float32)
    inp["attention_vec"] = jax.random.uniform(ks[21], (2 * HID, 1), dtype=jnp.float32)
    l1 = float(np.sqrt(6.0 / (2 * D + HID)))
    l2 = float(np.sqrt(6.0 / (2 * HID + HID)))
    lc = float(np.sqrt(6.0 / (HID + C)))
    inp["W1"] = jax.random.uniform(ks[22], (2 * D, HID), minval=-l1, maxval=l1, dtype=jnp.float32)
    inp["W2"] = jax.random.uniform(ks[23], (2 * HID, HID), minval=-l2, maxval=l2, dtype=jnp.float32)
    inp["W_cls"] = jax.random.uniform(ks[24], (HID, C), minval=-lc, maxval=lc, dtype=jnp.float32)
    return inp


def _agg(x, d2s, d2d, dif, W, rel_vec, att_vec):
    dst = jnp.take(x, d2d, axis=0)
    src = jnp.take(x, d2s, axis=0)
    aggf = jnp.matmul(dif, src)
    h = jnp.matmul(jnp.concatenate([aggf, dst], axis=1), W)
    rel = jnp.broadcast_to(rel_vec[None, :], (h.shape[0], rel_vec.shape[0]))
    att = jnp.matmul(jnp.concatenate([h, rel], axis=1), att_vec)
    att = jax.nn.softmax(att, axis=0)
    return att * h


def reference(features, src_nodes_r0, dstsrc2src_l1_r0, dstsrc2dst_l1_r0, dif_mat_l1_r0, dstsrc2src_l2_r0, dstsrc2dst_l2_r0, dif_mat_l2_r0, src_nodes_r1, dstsrc2src_l1_r1, dstsrc2dst_l1_r1, dif_mat_l1_r1, dstsrc2src_l2_r1, dstsrc2dst_l2_r1, dif_mat_l2_r1, relation_vectors, attention_vec, W1, W2, W_cls):
    rels = [
        (src_nodes_r0, dstsrc2src_l1_r0, dstsrc2dst_l1_r0, dif_mat_l1_r0, dstsrc2src_l2_r0, dstsrc2dst_l2_r0, dif_mat_l2_r0),
        (src_nodes_r1, dstsrc2src_l1_r1, dstsrc2dst_l1_r1, dif_mat_l1_r1, dstsrc2src_l2_r1, dstsrc2dst_l2_r1, dif_mat_l2_r1),
    ]
    xs = []
    for i, (sn, s1, d1, m1, s2, d2, m2) in enumerate(rels):
        x = jnp.take(features, sn, axis=0)
        x = _agg(x, s1, d1, m1, W1, relation_vectors[i], attention_vec)
        x = _agg(x, s2, d2, m2, W2, relation_vectors[i], attention_vec)
        xs.append(x)
    s = jnp.sum(jnp.stack(xs, axis=1), axis=1)
    s = s * jax.lax.rsqrt(jnp.maximum(jnp.sum(s * s, axis=1, keepdims=True), 1e-12))
    return jax.nn.softmax(jnp.matmul(s, W_cls), axis=-1)

if __name__ == "__main__":
    import jax
    _d = setup_inputs()
    print(jax.jit(kernel)(*tuple(_d.values())))

</pallas_src>

<mosaic_0001>
#map = affine_map<(d0, d1) -> (0, 0)>
#map1 = affine_map<(d0, d1) -> (0, 0, 0)>
module attributes {stable_mosaic.version = 14 : i64} {
  func.func @gather(%arg0: i32, %arg1: i32, %arg2: memref<2048x128xf32, #tpu.memory_space<hbm>>, %arg3: memref<32x1x80xi32, #tpu.memory_space<hbm>>, %arg4: memref<2560x128xf32, #tpu.memory_space<hbm>>, %arg5: memref<1x80xi32, #tpu.memory_space<vmem>>, %arg6: memref<80x128xf32, #tpu.memory_space<vmem>>, %arg7: memref<!tpu.dma_semaphore, #tpu.memory_space<semaphore_mem>>) attributes {dimension_semantics = [#tpu.dimension_semantics<core_parallel>, #tpu.dimension_semantics<subcore_parallel>], iteration_bounds = array<i64: 2, 16>, scalar_prefetch = 0 : i64, scratch_operands = 3 : i64, tpu.core_type = #tpu.core_type<sc_vector_subcore>, window_params = [{transform_indices = #map}, {transform_indices = #map1}, {transform_indices = #map}]} {
    %mul3A = arith.constant 2 : i32
    %mul3A_0 = arith.muli %arg1, %mul3A : i32
    %add3A = arith.addi %mul3A_0, %arg0 : i32
    "tpu.region"() ({
      %run_scoped3A = tpu.sem_alloc : memref<!tpu.dma_semaphore, #tpu.memory_space<semaphore_mem>>
      %dma_start3A_15 = arith.constant 0 : i32
      %dma_start3A_16 = arith.constant 0 : i32
      %dma_start3A_17 = tpu.memref_slice %arg3[%add3A, %dma_start3A_15, %dma_start3A_16] : memref<32x1x80xi32, #tpu.memory_space<hbm>> -> memref<1x1x80xi32, #tpu.memory_space<hbm>>
      %dma_start3A_18 = tpu.memref_squeeze %dma_start3A_17 : memref<1x1x80xi32, #tpu.memory_space<hbm>> -> memref<1x80xi32, #tpu.memory_space<hbm>>
      %dma_start3A_19 = arith.constant 0 : i32
      %dma_start3A_20 = arith.constant 0 : i32
      %dma_start3A_21 = tpu.memref_slice %arg3[%add3A, %dma_start3A_19, %dma_start3A_20] : memref<32x1x80xi32, #tpu.memory_space<hbm>> -> memref<1x1x80xi32, #tpu.memory_space<hbm>>
      %dma_start3A_22 = tpu.memref_squeeze %dma_start3A_21 : memref<1x1x80xi32, #tpu.memory_space<hbm>> -> memref<1x80xi32, #tpu.memory_space<hbm>>
      tpu.enqueue_dma source(%dma_start3A_22 : memref<1x80xi32, #tpu.memory_space<hbm>>) target(%arg5 : memref<1x80xi32, #tpu.memory_space<vmem>>) target_semaphore(%run_scoped3A : memref<!tpu.dma_semaphore, #tpu.memory_space<semaphore_mem>>)
      %dma_wait3A_23 = arith.constant 0 : i32
      %dma_wait3A_24 = arith.constant 0 : i32
      %dma_wait3A_25 = tpu.memref_slice %arg3[%add3A, %dma_wait3A_23, %dma_wait3A_24] : memref<32x1x80xi32, #tpu.memory_space<hbm>> -> memref<1x1x80xi32, #tpu.memory_space<hbm>>
      %dma_wait3A_26 = tpu.memref_squeeze %dma_wait3A_25 : memref<1x1x80xi32, #tpu.memory_space<hbm>> -> memref<1x80xi32, #tpu.memory_space<hbm>>
      %dma_wait3A_27 = arith.constant 0 : i32
      %dma_wait3A_28 = arith.constant 0 : i32
      %dma_wait3A_29 = tpu.memref_slice %arg3[%add3A, %dma_wait3A_27, %dma_wait3A_28] : memref<32x1x80xi32, #tpu.memory_space<hbm>> -> memref<1x1x80xi32, #tpu.memory_space<hbm>>
      %dma_wait3A_30 = tpu.memref_squeeze %dma_wait3A_29 : memref<1x1x80xi32, #tpu.memory_space<hbm>> -> memref<1x80xi32, #tpu.memory_space<hbm>>
      tpu.wait_dma2 semaphore(%run_scoped3A : memref<!tpu.dma_semaphore, #tpu.memory_space<semaphore_mem>>) src(%dma_wait3A_30 : memref<1x80xi32, #tpu.memory_space<hbm>>) dst(%arg5 : memref<1x80xi32, #tpu.memory_space<vmem>>)
      tpu.yield
    }) : () -> ()
    %dma_start3A = arith.constant 0 : i32
    %dma_start3A_1 = arith.constant 0 : i32
    %dma_start3A_2 = tpu.memref_slice %arg5[%dma_start3A, %dma_start3A_1] : memref<1x80xi32, #tpu.memory_space<vmem>> -> memref<1x80xi32, #tpu.memory_space<vmem>>
    %dma_start3A_3 = tpu.memref_squeeze %dma_start3A_2 : memref<1x80xi32, #tpu.memory_space<vmem>> -> memref<80xi32, #tpu.memory_space<vmem>>
    %dma_start3A_4 = arith.constant 0 : i32
    %dma_start3A_5 = arith.constant 0 : i32
    %dma_start3A_6 = tpu.memref_slice %arg2[%dma_start3A_4, %dma_start3A_5] : memref<2048x128xf32, #tpu.memory_space<hbm>> -> memref<2048x128xf32, #tpu.memory_space<hbm>>
    tpu.enqueue_indirect_dma source(%dma_start3A_6 : memref<2048x128xf32, #tpu.memory_space<hbm>>) target(%arg6 : memref<80x128xf32, #tpu.memory_space<vmem>>) offsets(%dma_start3A_3 : memref<80xi32, #tpu.memory_space<vmem>>) semaphore(%arg7 : memref<!tpu.dma_semaphore, #tpu.memory_space<semaphore_mem>>)
    %dma_wait3A = arith.constant 0 : i32
    %dma_wait3A_7 = arith.constant 0 : i32
    %dma_wait3A_8 = tpu.memref_slice %arg5[%dma_wait3A, %dma_wait3A_7] : memref<1x80xi32, #tpu.memory_space<vmem>> -> memref<1x80xi32, #tpu.memory_space<vmem>>
    %dma_wait3A_9 = tpu.memref_squeeze %dma_wait3A_8 : memref<1x80xi32, #tpu.memory_space<vmem>> -> memref<80xi32, #tpu.memory_space<vmem>>
    %dma_wait3A_10 = arith.constant 0 : i32
    %dma_wait3A_11 = arith.constant 0 : i32
    %dma_wait3A_12 = tpu.memref_slice %arg2[%dma_wait3A_10, %dma_wait3A_11] : memref<2048x128xf32, #tpu.memory_space<hbm>> -> memref<2048x128xf32, #tpu.memory_space<hbm>>
    tpu.wait_indirect_dma semaphore(%arg7 : memref<!tpu.dma_semaphore, #tpu.memory_space<semaphore_mem>>) src(%dma_wait3A_12 : memref<2048x128xf32, #tpu.memory_space<hbm>>) dst(%arg6 : memref<80x128xf32, #tpu.memory_space<vmem>>)
    %mul3A_13 = arith.constant 80 : i32
    %mul3A_14 = arith.muli %add3A, %mul3A_13 : i32
    "tpu.region"() ({
      %run_scoped3A = tpu.sem_alloc : memref<!tpu.dma_semaphore, #tpu.memory_space<semaphore_mem>>
      %dma_start3A_15 = arith.constant 0 : i32
      %dma_start3A_16 = tpu.memref_slice %arg4[%mul3A_14, %dma_start3A_15] : memref<2560x128xf32, #tpu.memory_space<hbm>> -> memref<80x128xf32, #tpu.memory_space<hbm>>
      %dma_start3A_17 = arith.constant 0 : i32
      %dma_start3A_18 = tpu.memref_slice %arg4[%mul3A_14, %dma_start3A_17] : memref<2560x128xf32, #tpu.memory_space<hbm>> -> memref<80x128xf32, #tpu.memory_space<hbm>>
      tpu.enqueue_dma source(%arg6 : memref<80x128xf32, #tpu.memory_space<vmem>>) target(%dma_start3A_18 : memref<80x128xf32, #tpu.memory_space<hbm>>) target_semaphore(%run_scoped3A : memref<!tpu.dma_semaphore, #tpu.memory_space<semaphore_mem>>)
      %dma_wait3A_19 = arith.constant 0 : i32
      %dma_wait3A_20 = tpu.memref_slice %arg4[%mul3A_14, %dma_wait3A_19] : memref<2560x128xf32, #tpu.memory_space<hbm>> -> memref<80x128xf32, #tpu.memory_space<hbm>>
      %dma_wait3A_21 = arith.constant 0 : i32
      %dma_wait3A_22 = tpu.memref_slice %arg4[%mul3A_14, %dma_wait3A_21] : memref<2560x128xf32, #tpu.memory_space<hbm>> -> memref<80x128xf32, #tpu.memory_space<hbm>>
      tpu.wait_dma2 semaphore(%run_scoped3A : memref<!tpu.dma_semaphore, #tpu.memory_space<semaphore_mem>>) src(%arg6 : memref<80x128xf32, #tpu.memory_space<vmem>>) dst(%dma_wait3A_22 : memref<80x128xf32, #tpu.memory_space<hbm>>)
      tpu.yield
    }) : () -> ()
    return
  }
}

#map = affine_map<(d0, d1) -> (0, 0)>
#map1 = affine_map<(d0, d1) -> (0, 0, 0)>
module attributes {stable_mosaic.version = 14 : i64} {
  func.func @gather(%arg0: i32, %arg1: i32, %arg2: memref<2048x128xf32, #tpu.memory_space<hbm>>, %arg3: memref<32x1x80xi32, #tpu.memory_space<hbm>>, %arg4: memref<2560x128xf32, #tpu.memory_space<hbm>>, %arg5: memref<1x80xi32, #tpu.memory_space<vmem>>, %arg6: memref<80x128xf32, #tpu.memory_space<vmem>>, %arg7: memref<!tpu.dma_semaphore, #tpu.memory_space<semaphore_mem>>) attributes {dimension_semantics = [#tpu.dimension_semantics<core_parallel>, #tpu.dimension_semantics<subcore_parallel>], iteration_bounds = array<i64: 2, 16>, scalar_prefetch = 0 : i64, scratch_operands = 3 : i64, tpu.core_type = #tpu.core_type<sc_vector_subcore>, window_params = [{transform_indices = #map}, {transform_indices = #map1}, {transform_indices = #map}]} {
    %mul3A = arith.constant 2 : i32
    %mul3A_0 = arith.muli %arg1, %mul3A : i32
    %add3A = arith.addi %mul3A_0, %arg0 : i32
    "tpu.region"() ({
      %run_scoped3A = tpu.sem_alloc : memref<!tpu.dma_semaphore, #tpu.memory_space<semaphore_mem>>
      %dma_start3A_15 = arith.constant 0 : i32
      %dma_start3A_16 = arith.constant 0 : i32
      %dma_start3A_17 = tpu.memref_slice %arg3[%add3A, %dma_start3A_15, %dma_start3A_16] : memref<32x1x80xi32, #tpu.memory_space<hbm>> -> memref<1x1x80xi32, #tpu.memory_space<hbm>>
      %dma_start3A_18 = tpu.memref_squeeze %dma_start3A_17 : memref<1x1x80xi32, #tpu.memory_space<hbm>> -> memref<1x80xi32, #tpu.memory_space<hbm>>
      %dma_start3A_19 = arith.constant 0 : i32
      %dma_start3A_20 = arith.constant 0 : i32
      %dma_start3A_21 = tpu.memref_slice %arg3[%add3A, %dma_start3A_19, %dma_start3A_20] : memref<32x1x80xi32, #tpu.memory_space<hbm>> -> memref<1x1x80xi32, #tpu.memory_space<hbm>>
      %dma_start3A_22 = tpu.memref_squeeze %dma_start3A_21 : memref<1x1x80xi32, #tpu.memory_space<hbm>> -> memref<1x80xi32, #tpu.memory_space<hbm>>
      tpu.enqueue_dma source(%dma_start3A_22 : memref<1x80xi32, #tpu.memory_space<hbm>>) target(%arg5 : memref<1x80xi32, #tpu.memory_space<vmem>>) target_semaphore(%run_scoped3A : memref<!tpu.dma_semaphore, #tpu.memory_space<semaphore_mem>>)
      %dma_wait3A_23 = arith.constant 0 : i32
      %dma_wait3A_24 = arith.constant 0 : i32
      %dma_wait3A_25 = tpu.memref_slice %arg3[%add3A, %dma_wait3A_23, %dma_wait3A_24] : memref<32x1x80xi32, #tpu.memory_space<hbm>> -> memref<1x1x80xi32, #tpu.memory_space<hbm>>
      %dma_wait3A_26 = tpu.memref_squeeze %dma_wait3A_25 : memref<1x1x80xi32, #tpu.memory_space<hbm>> -> memref<1x80xi32, #tpu.memory_space<hbm>>
      %dma_wait3A_27 = arith.constant 0 : i32
      %dma_wait3A_28 = arith.constant 0 : i32
      %dma_wait3A_29 = tpu.memref_slice %arg3[%add3A, %dma_wait3A_27, %dma_wait3A_28] : memref<32x1x80xi32, #tpu.memory_space<hbm>> -> memref<1x1x80xi32, #tpu.memory_space<hbm>>
      %dma_wait3A_30 = tpu.memref_squeeze %dma_wait3A_29 : memref<1x1x80xi32, #tpu.memory_space<hbm>> -> memref<1x80xi32, #tpu.memory_space<hbm>>
      tpu.wait_dma2 semaphore(%run_scoped3A : memref<!tpu.dma_semaphore, #tpu.memory_space<semaphore_mem>>) src(%dma_wait3A_30 : memref<1x80xi32, #tpu.memory_space<hbm>>) dst(%arg5 : memref<1x80xi32, #tpu.memory_space<vmem>>)
      tpu.yield
    }) : () -> ()
    %dma_start3A = arith.constant 0 : i32
    %dma_start3A_1 = arith.constant 0 : i32
    %dma_start3A_2 = tpu.memref_slice %arg5[%dma_start3A, %dma_start3A_1] : memref<1x80xi32, #tpu.memory_space<vmem>> -> memref<1x80xi32, #tpu.memory_space<vmem>>
    %dma_start3A_3 = tpu.memref_squeeze %dma_start3A_2 : memref<1x80xi32, #tpu.memory_space<vmem>> -> memref<80xi32, #tpu.memory_space<vmem>>
    %dma_start3A_4 = arith.constant 0 : i32
    %dma_start3A_5 = arith.constant 0 : i32
    %dma_start3A_6 = tpu.memref_slice %arg2[%dma_start3A_4, %dma_start3A_5] : memref<2048x128xf32, #tpu.memory_space<hbm>> -> memref<2048x128xf32, #tpu.memory_space<hbm>>
    tpu.enqueue_indirect_dma source(%dma_start3A_6 : memref<2048x128xf32, #tpu.memory_space<hbm>>) target(%arg6 : memref<80x128xf32, #tpu.memory_space<vmem>>) offsets(%dma_start3A_3 : memref<80xi32, #tpu.memory_space<vmem>>) semaphore(%arg7 : memref<!tpu.dma_semaphore, #tpu.memory_space<semaphore_mem>>)
    %dma_wait3A = arith.constant 0 : i32
    %dma_wait3A_7 = arith.constant 0 : i32
    %dma_wait3A_8 = tpu.memref_slice %arg5[%dma_wait3A, %dma_wait3A_7] : memref<1x80xi32, #tpu.memory_space<vmem>> -> memref<1x80xi32, #tpu.memory_space<vmem>>
    %dma_wait3A_9 = tpu.memref_squeeze %dma_wait3A_8 : memref<1x80xi32, #tpu.memory_space<vmem>> -> memref<80xi32, #tpu.memory_space<vmem>>
    %dma_wait3A_10 = arith.constant 0 : i32
    %dma_wait3A_11 = arith.constant 0 : i32
    %dma_wait3A_12 = tpu.memref_slice %arg2[%dma_wait3A_10, %dma_wait3A_11] : memref<2048x128xf32, #tpu.memory_space<hbm>> -> memref<2048x128xf32, #tpu.memory_space<hbm>>
    tpu.wait_indirect_dma semaphore(%arg7 : memref<!tpu.dma_semaphore, #tpu.memory_space<semaphore_mem>>) src(%dma_wait3A_12 : memref<2048x128xf32, #tpu.memory_space<hbm>>) dst(%arg6 : memref<80x128xf32, #tpu.memory_space<vmem>>)
    %mul3A_13 = arith.constant 80 : i32
    %mul3A_14 = arith.muli %add3A, %mul3A_13 : i32
    "tpu.region"() ({
      %run_scoped3A = tpu.sem_alloc : memref<!tpu.dma_semaphore, #tpu.memory_space<semaphore_mem>>
      %dma_start3A_15 = arith.constant 0 : i32
      %dma_start3A_16 = tpu.memref_slice %arg4[%mul3A_14, %dma_start3A_15] : memref<2560x128xf32, #tpu.memory_space<hbm>> -> memref<80x128xf32, #tpu.memory_space<hbm>>
      %dma_start3A_17 = arith.constant 0 : i32
      %dma_start3A_18 = tpu.memref_slice %arg4[%mul3A_14, %dma_start3A_17] : memref<2560x128xf32, #tpu.memory_space<hbm>> -> memref<80x128xf32, #tpu.memory_space<hbm>>
      tpu.enqueue_dma source(%arg6 : memref<80x128xf32, #tpu.memory_space<vmem>>) target(%dma_start3A_18 : memref<80x128xf32, #tpu.memory_space<hbm>>) target_semaphore(%run_scoped3A : memref<!tpu.dma_semaphore, #tpu.memory_space<semaphore_mem>>)
      %dma_wait3A_19 = arith.constant 0 : i32
      %dma_wait3A_20 = tpu.memref_slice %arg4[%mul3A_14, %dma_wait3A_19] : memref<2560x128xf32, #tpu.memory_space<hbm>> -> memref<80x128xf32, #tpu.memory_space<hbm>>
      %dma_wait3A_21 = arith.constant 0 : i32
      %dma_wait3A_22 = tpu.memref_slice %arg4[%mul3A_14, %dma_wait3A_21] : memref<2560x128xf32, #tpu.memory_space<hbm>> -> memref<80x128xf32, #tpu.memory_space<hbm>>
      tpu.wait_dma2 semaphore(%run_scoped3A : memref<!tpu.dma_semaphore, #tpu.memory_space<semaphore_mem>>) src(%arg6 : memref<80x128xf32, #tpu.memory_space<vmem>>) dst(%dma_wait3A_22 : memref<80x128xf32, #tpu.memory_space<hbm>>)
      tpu.yield
    }) : () -> ()
    return
  }
}

#map = affine_map<(d0, d1) -> (0, 0)>
#map1 = affine_map<(d0, d1) -> (0, 0, 0)>
module attributes {stable_mosaic.version = 14 : i64} {
  func.func @gather(%arg0: i32, %arg1: i32, %arg2: memref<50000x128xf32, #tpu.memory_space<hbm>>, %arg3: memref<32x5x128xi32, #tpu.memory_space<hbm>>, %arg4: memref<20480x128xf32, #tpu.memory_space<hbm>>, %arg5: memref<5x128xi32, #tpu.memory_space<vmem>>, %arg6: memref<640x128xf32, #tpu.memory_space<vmem>>, %arg7: memref<!tpu.dma_semaphore, #tpu.memory_space<semaphore_mem>>) attributes {dimension_semantics = [#tpu.dimension_semantics<core_parallel>, #tpu.dimension_semantics<subcore_parallel>], iteration_bounds = array<i64: 2, 16>, scalar_prefetch = 0 : i64, scratch_operands = 3 : i64, tpu.core_type = #tpu.core_type<sc_vector_subcore>, window_params = [{transform_indices = #map}, {transform_indices = #map1}, {transform_indices = #map}]} {
    %mul3A = arith.constant 2 : i32
    %mul3A_0 = arith.muli %arg1, %mul3A : i32
    %add3A = arith.addi %mul3A_0, %arg0 : i32
    "tpu.region"() ({
      %run_scoped3A = tpu.sem_alloc : memref<!tpu.dma_semaphore, #tpu.memory_space<semaphore_mem>>
      %dma_start3A_101 = arith.constant 0 : i32
      %dma_start3A_102 = arith.constant 0 : i32
      %dma_start3A_103 = tpu.memref_slice %arg3[%add3A, %dma_start3A_101, %dma_start3A_102] : memref<32x5x128xi32, #tpu.memory_space<hbm>> -> memref<1x5x128xi32, #tpu.memory_space<hbm>>
      %dma_start3A_104 = tpu.memref_squeeze %dma_start3A_103 : memref<1x5x128xi32, #tpu.memory_space<hbm>> -> memref<5x128xi32, #tpu.memory_space<hbm>>
      %dma_start3A_105 = arith.constant 0 : i32
      %dma_start3A_106 = arith.constant 0 : i32
      %dma_start3A_107 = tpu.memref_slice %arg3[%add3A, %dma_start3A_105, %dma_start3A_106] : memref<32x5x128xi32, #tpu.memory_space<hbm>> -> memref<1x5x128xi32, #tpu.memory_space<hbm>>
      %dma_start3A_108 = tpu.memref_squeeze %dma_start3A_107 : memref<1x5x128xi32, #tpu.memory_space<hbm>> -> memref<5x128xi32, #tpu.memory_space<hbm>>
      tpu.enqueue_dma source(%dma_start3A_108 : memref<5x128xi32, #tpu.memory_space<hbm>>) target(%arg5 : memref<5x128xi32, #tpu.memory_space<vmem>>) target_semaphore(%run_scoped3A : memref<!tpu.dma_semaphore, #tpu.memory_space<semaphore_mem>>)
      %dma_wait3A_109 = arith.constant 0 : i32
      %dma_wait3A_110 = arith.constant 0 : i32
      %dma_wait3A_111 = tpu.memref_slice %arg3[%add3A, %dma_wait3A_109, %dma_wait3A_110] : memref<32x5x128xi32, #tpu.memory_space<hbm>> -> memref<1x5x128xi32, #tpu.memory_space<hbm>>
      %dma_wait3A_112 = tpu.memref_squeeze %dma_wait3A_111 : memref<1x5x128xi32, #tpu.memory_space<hbm>> -> memref<5x128xi32, #tpu.memory_space<hbm>>
      %dma_wait3A_113 = arith.constant 0 : i32
      %dma_wait3A_114 = arith.constant 0 : i32
      %dma_wait3A_115 = tpu.memref_slice %arg3[%add3A, %dma_wait3A_113, %dma_wait3A_114] : memref<32x5x128xi32, #tpu.memory_space<hbm>> -> memref<1x5x128xi32, #tpu.memory_space<hbm>>
      %dma_wait3A_116 = tpu.memref_squeeze %dma_wait3A_115 : memref<1x5x128xi32, #tpu.memory_space<hbm>> -> memref<5x128xi32, #tpu.memory_space<hbm>>
      tpu.wait_dma2 semaphore(%run_scoped3A : memref<!tpu.dma_semaphore, #tpu.memory_space<semaphore_mem>>) src(%dma_wait3A_116 : memref<5x128xi32, #tpu.memory_space<hbm>>) dst(%arg5 : memref<5x128xi32, #tpu.memory_space<vmem>>)
      tpu.yield
    }) : () -> ()
    %dma_start3A = arith.constant 0 : i32
    %dma_start3A_1 = arith.constant 0 : i32
    %dma_start3A_2 = arith.constant 0 : i32
    %dma_start3A_3 = tpu.memref_slice %arg6[%dma_start3A_1, %dma_start3A_2] : memref<640x128xf32, #tpu.memory_space<vmem>> -> memref<128x128xf32, #tpu.memory_space<vmem>>
    %dma_start3A_4 = arith.constant 0 : i32
    %dma_start3A_5 = tpu.memref_slice %arg5[%dma_start3A, %dma_start3A_4] : memref<5x128xi32, #tpu.memory_space<vmem>> -> memref<1x128xi32, #tpu.memory_space<vmem>>
    %dma_start3A_6 = tpu.memref_squeeze %dma_start3A_5 : memref<1x128xi32, #tpu.memory_space<vmem>> -> memref<128xi32, #tpu.memory_space<vmem>>
    %dma_start3A_7 = arith.constant 0 : i32
    %dma_start3A_8 = arith.constant 0 : i32
    %dma_start3A_9 = tpu.memref_slice %arg2[%dma_start3A_7, %dma_start3A_8] : memref<50000x128xf32, #tpu.memory_space<hbm>> -> memref<50000x128xf32, #tpu.memory_space<hbm>>
    tpu.enqueue_indirect_dma source(%dma_start3A_9 : memref<50000x128xf32, #tpu.memory_space<hbm>>) target(%dma_start3A_3 : memref<128x128xf32, #tpu.memory_space<vmem>>) offsets(%dma_start3A_6 : memref<128xi32, #tpu.memory_space<vmem>>) semaphore(%arg7 : memref<!tpu.dma_semaphore, #tpu.memory_space<semaphore_mem>>)
    %dma_start3A_10 = arith.constant 1 : i32
    %dma_start3A_11 = arith.constant 128 : i32
    %dma_start3A_12 = arith.constant 0 : i32
    %dma_start3A_13 = tpu.memref_slice %arg6[%dma_start3A_11, %dma_start3A_12] : memref<640x128xf32, #tpu.memory_space<vmem>> -> memref<128x128xf32, #tpu.memory_space<vmem>>
    %dma_start3A_14 = arith.constant 0 : i32
    %dma_start3A_15 = tpu.memref_slice %arg5[%dma_start3A_10, %dma_start3A_14] : memref<5x128xi32, #tpu.memory_space<vmem>> -> memref<1x128xi32, #tpu.memory_space<vmem>>
    %dma_start3A_16 = tpu.memref_squeeze %dma_start3A_15 : memref<1x128xi32, #tpu.memory_space<vmem>> -> memref<128xi32, #tpu.memory_space<vmem>>
    %dma_start3A_17 = arith.constant 0 : i32
    %dma_start3A_18 = arith.constant 0 : i32
    %dma_start3A_19 = tpu.memref_slice %arg2[%dma_start3A_17, %dma_start3A_18] : memref<50000x128xf32, #tpu.memory_space<hbm>> -> memref<50000x128xf32, #tpu.memory_space<hbm>>
    tpu.enqueue_indirect_dma source(%dma_start3A_19 : memref<50000x128xf32, #tpu.memory_space<hbm>>) target(%dma_start3A_13 : memref<128x128xf32, #tpu.memory_space<vmem>>) offsets(%dma_start3A_16 : memref<128xi32, #tpu.memory_space<vmem>>) semaphore(%arg7 : memref<!tpu.dma_semaphore, #tpu.memory_space<semaphore_mem>>)
    %dma_start3A_20 = arith.constant 2 : i32
    %dma_start3A_21 = arith.constant 256 : i32
    %dma_start3A_22 = arith.constant 0 : i32
    %dma_start3A_23 = tpu.memref_slice %arg6[%dma_start3A_21, %dma_start3A_22] : memref<640x128xf32, #tpu.memory_space<vmem>> -> memref<128x128xf32, #tpu.memory_space<vmem>>
    %dma_start3A_24 = arith.constant 0 : i32
    %dma_start3A_25 = tpu.memref_slice %arg5[%dma_start3A_20, %dma_start3A_24] : memref<5x128xi32, #tpu.memory_space<vmem>> -> memref<1x128xi32, #tpu.memory_space<vmem>>
    %dma_start3A_26 = tpu.memref_squeeze %dma_start3A_25 : memref<1x128xi32, #tpu.memory_space<vmem>> -> memref<128xi32, #tpu.memory_space<vmem>>
    %dma_start3A_27 = arith.constant 0 : i32
    %dma_start3A_28 = arith.constant 0 : i32
    %dma_start3A_29 = tpu.memref_slice %arg2[%dma_start3A_27, %dma_start3A_28] : memref<50000x128xf32, #tpu.memory_space<hbm>> -> memref<50000x128xf32, #tpu.memory_space<hbm>>
    tpu.enqueue_indirect_dma source(%dma_start3A_29 : memref<50000x128xf32, #tpu.memory_space<hbm>>) target(%dma_start3A_23 : memref<128x128xf32, #tpu.memory_space<vmem>>) offsets(%dma_start3A_26 : memref<128xi32, #tpu.memory_space<vmem>>) semaphore(%arg7 : memref<!tpu.dma_semaphore, #tpu.memory_space<semaphore_mem>>)
    %dma_start3A_30 = arith.constant 3 : i32
    %dma_start3A_31 = arith.constant 384 : i32
    %dma_start3A_32 = arith.constant 0 : i32
    %dma_start3A_33 = tpu.memref_slice %arg6[%dma_start3A_31, %dma_start3A_32] : memref<640x128xf32, #tpu.memory_space<vmem>> -> memref<128x128xf32, #tpu.memory_space<vmem>>
    %dma_start3A_34 = arith.constant 0 : i32
    %dma_start3A_35 = tpu.memref_slice %arg5[%dma_start3A_30, %dma_start3A_34] : memref<5x128xi32, #tpu.memory_space<vmem>> -> memref<1x128xi32, #tpu.memory_space<vmem>>
    %dma_start3A_36 = tpu.memref_squeeze %dma_start3A_35 : memref<1x128xi32, #tpu.memory_space<vmem>> -> memref<128xi32, #tpu.memory_space<vmem>>
    %dma_start3A_37 = arith.constant 0 : i32
    %dma_start3A_38 = arith.constant 0 : i32
    %dma_start3A_39 = tpu.memref_slice %arg2[%dma_start3A_37, %dma_start3A_38] : memref<50000x128xf32, #tpu.memory_space<hbm>> -> memref<50000x128xf32, #tpu.memory_space<hbm>>
    tpu.enqueue_indirect_dma source(%dma_start3A_39 : memref<50000x128xf32, #tpu.memory_space<hbm>>) target(%dma_start3A_33 : memref<128x128xf32, #tpu.memory_space<vmem>>) offsets(%dma_start3A_36 : memref<128xi32, #tpu.memory_space<vmem>>) semaphore(%arg7 : memref<!tpu.dma_semaphore, #tpu.memory_space<semaphore_mem>>)
    %dma_start3A_40 = arith.constant 4 : i32
    %dma_start3A_41 = arith.constant 512 : i32
    %dma_start3A_42 = arith.constant 0 : i32
    %dma_start3A_43 = tpu.memref_slice %arg6[%dma_start3A_41, %dma_start3A_42] : memref<640x128xf32, #tpu.memory_space<vmem>> -> memref<128x128xf32, #tpu.memory_space<vmem>>
    %dma_start3A_44 = arith.constant 0 : i32
    %dma_start3A_45 = tpu.memref_slice %arg5[%dma_start3A_40, %dma_start3A_44] : memref<5x128xi32, #tpu.memory_space<vmem>> -> memref<1x128xi32, #tpu.memory_space<vmem>>
    %dma_start3A_46 = tpu.memref_squeeze %dma_start3A_45 : memref<1x128xi32, #tpu.memory_space<vmem>> -> memref<128xi32, #tpu.memory_space<vmem>>
    %dma_start3A_47 = arith.constant 0 : i32
    %dma_start3A_48 = arith.constant 0 : i32
    %dma_start3A_49 = tpu.memref_slice %arg2[%dma_start3A_47, %dma_start3A_48] : memref<50000x128xf32, #tpu.memory_space<hbm>> -> memref<50000x128xf32, #tpu.memory_space<hbm>>
    tpu.enqueue_indirect_dma source(%dma_start3A_49 : memref<50000x128xf32, #tpu.memory_space<hbm>>) target(%dma_start3A_43 : memref<128x128xf32, #tpu.memory_space<vmem>>) offsets(%dma_start3A_46 : memref<128xi32, #tpu.memory_space<vmem>>) semaphore(%arg7 : memref<!tpu.dma_semaphore, #tpu.memory_space<semaphore_mem>>)
    %dma_wait3A = arith.constant 0 : i32
    %dma_wait3A_50 = arith.constant 0 : i32
    %dma_wait3A_51 = arith.constant 0 : i32
    %dma_wait3A_52 = tpu.memref_slice %arg6[%dma_wait3A_50, %dma_wait3A_51] : memref<640x128xf32, #tpu.memory_space<vmem>> -> memref<128x128xf32, #tpu.memory_space<vmem>>
    %dma_wait3A_53 = arith.constant 0 : i32
    %dma_wait3A_54 = tpu.memref_slice %arg5[%dma_wait3A, %dma_wait3A_53] : memref<5x128xi32, #tpu.memory_space<vmem>> -> memref<1x128xi32, #tpu.memory_space<vmem>>
    %dma_wait3A_55 = tpu.memref_squeeze %dma_wait3A_54 : memref<1x128xi32, #tpu.memory_space<vmem>> -> memref<128xi32, #tpu.memory_space<vmem>>
    %dma_wait3A_56 = arith.constant 0 : i32
    %dma_wait3A_57 = arith.constant 0 : i32
    %dma_wait3A_58 = tpu.memref_slice %arg2[%dma_wait3A_56, %dma_wait3A_57] : memref<50000x128xf32, #tpu.memory_space<hbm>> -> memref<50000x128xf32, #tpu.memory_space<hbm>>
    tpu.wait_indirect_dma semaphore(%arg7 : memref<!tpu.dma_semaphore, #tpu.memory_space<semaphore_mem>>) src(%dma_wait3A_58 : memref<50000x128xf32, #tpu.memory_space<hbm>>) dst(%dma_wait3A_52 : memref<128x128xf32, #tpu.memory_space<vmem>>)
    %dma_wait3A_59 = arith.constant 1 : i32
    %dma_wait3A_60 = arith.constant 128 : i32
    %dma_wait3A_61 = arith.constant 0 : i32
    %dma_wait3A_62 = tpu.memref_slice %arg6[%dma_wait3A_60, %dma_wait3A_61] : memref<640x128xf32, #tpu.memory_space<vmem>> -> memref<128x128xf32, #tpu.memory_space<vmem>>
    %dma_wait3A_63 = arith.constant 0 : i32
    %dma_wait3A_64 = tpu.memref_slice %arg5[%dma_wait3A_59, %dma_wait3A_63] : memref<5x128xi32, #tpu.memory_space<vmem>> -> memref<1x128xi32, #tpu.memory_space<vmem>>
    %dma_wait3A_65 = tpu.memref_squeeze %dma_wait3A_64 : memref<1x128xi32, #tpu.memory_space<vmem>> -> memref<128xi32, #tpu.memory_space<vmem>>
    %dma_wait3A_66 = arith.constant 0 : i32
    %dma_wait3A_67 = arith.constant 0 : i32
    %dma_wait3A_68 = tpu.memref_slice %arg2[%dma_wait3A_66, %dma_wait3A_67] : memref<50000x128xf32, #tpu.memory_space<hbm>> -> memref<50000x128xf32, #tpu.memory_space<hbm>>
    tpu.wait_indirect_dma semaphore(%arg7 : memref<!tpu.dma_semaphore, #tpu.memory_space<semaphore_mem>>) src(%dma_wait3A_68 : memref<50000x128xf32, #tpu.memory_space<hbm>>) dst(%dma_wait3A_62 : memref<128x128xf32, #tpu.memory_space<vmem>>)
    %dma_wait3A_69 = arith.constant 2 : i32
    %dma_wait3A_70 = arith.constant 256 : i32
    %dma_wait3A_71 = arith.constant 0 : i32
    %dma_wait3A_72 = tpu.memref_slice %arg6[%dma_wait3A_70, %dma_wait3A_71] : memref<640x128xf32, #tpu.memory_space<vmem>> -> memref<128x128xf32, #tpu.memory_space<vmem>>
    %dma_wait3A_73 = arith.constant 0 : i32
    %dma_wait3A_74 = tpu.memref_slice %arg5[%dma_wait3A_69, %dma_wait3A_73] : memref<5x128xi32, #tpu.memory_space<vmem>> -> memref<1x128xi32, #tpu.memory_space<vmem>>
    %dma_wait3A_75 = tpu.memref_squeeze %dma_wait3A_74 : memref<1x128xi32, #tpu.memory_space<vmem>> -> memref<128xi32, #tpu.memory_space<vmem>>
    %dma_wait3A_76 = arith.constant 0 : i32
    %dma_wait3A_77 = arith.constant 0 : i32
    %dma_wait3A_78 = tpu.memref_slice %arg2[%dma_wait3A_76, %dma_wait3A_77] : memref<50000x128xf32, #tpu.memory_space<hbm>> -> memref<50000x128xf32, #tpu.memory_space<hbm>>
    tpu.wait_indirect_dma semaphore(%arg7 : memref<!tpu.dma_semaphore, #tpu.memory_space<semaphore_mem>>) src(%dma_wait3A_78 : memref<50000x128xf32, #tpu.memory_space<hbm>>) dst(%dma_wait3A_72 : memref<128x128xf32, #tpu.memory_space<vmem>>)
    %dma_wait3A_79 = arith.constant 3 : i32
    %dma_wait3A_80 = arith.constant 384 : i32
    %dma_wait3A_81 = arith.constant 0 : i32
    %dma_wait3A_82 = tpu.memref_slice %arg6[%dma_wait3A_80, %dma_wait3A_81] : memref<640x128xf32, #tpu.memory_space<vmem>> -> memref<128x128xf32, #tpu.memory_space<vmem>>
    %dma_wait3A_83 = arith.constant 0 : i32
    %dma_wait3A_84 = tpu.memref_slice %arg5[%dma_wait3A_79, %dma_wait3A_83] : memref<5x128xi32, #tpu.memory_space<vmem>> -> memref<1x128xi32, #tpu.memory_space<vmem>>
    %dma_wait3A_85 = tpu.memref_squeeze %dma_wait3A_84 : memref<1x128xi32, #tpu.memory_space<vmem>> -> memref<128xi32, #tpu.memory_space<vmem>>
    %dma_wait3A_86 = arith.constant 0 : i32
    %dma_wait3A_87 = arith.constant 0 : i32
    %dma_wait3A_88 = tpu.memref_slice %arg2[%dma_wait3A_86, %dma_wait3A_87] : memref<50000x128xf32, #tpu.memory_space<hbm>> -> memref<50000x128xf32, #tpu.memory_space<hbm>>
    tpu.wait_indirect_dma semaphore(%arg7 : memref<!tpu.dma_semaphore, #tpu.memory_space<semaphore_mem>>) src(%dma_wait3A_88 : memref<50000x128xf32, #tpu.memory_space<hbm>>) dst(%dma_wait3A_82 : memref<128x128xf32, #tpu.memory_space<vmem>>)
    %dma_wait3A_89 = arith.constant 4 : i32
    %dma_wait3A_90 = arith.constant 512 : i32
    %dma_wait3A_91 = arith.constant 0 : i32
    %dma_wait3A_92 = tpu.memref_slice %arg6[%dma_wait3A_90, %dma_wait3A_91] : memref<640x128xf32, #tpu.memory_space<vmem>> -> memref<128x128xf32, #tpu.memory_space<vmem>>
    %dma_wait3A_93 = arith.constant 0 : i32
    %dma_wait3A_94 = tpu.memref_slice %arg5[%dma_wait3A_89, %dma_wait3A_93] : memref<5x128xi32, #tpu.memory_space<vmem>> -> memref<1x128xi32, #tpu.memory_space<vmem>>
    %dma_wait3A_95 = tpu.memref_squeeze %dma_wait3A_94 : memref<1x128xi32, #tpu.memory_space<vmem>> -> memref<128xi32, #tpu.memory_space<vmem>>
    %dma_wait3A_96 = arith.constant 0 : i32
    %dma_wait3A_97 = arith.constant 0 : i32
    %dma_wait3A_98 = tpu.memref_slice %arg2[%dma_wait3A_96, %dma_wait3A_97] : memref<50000x128xf32, #tpu.memory_space<hbm>> -> memref<50000x128xf32, #tpu.memory_space<hbm>>
    tpu.wait_indirect_dma semaphore(%arg7 : memref<!tpu.dma_semaphore, #tpu.memory_space<semaphore_mem>>) src(%dma_wait3A_98 : memref<50000x128xf32, #tpu.memory_space<hbm>>) dst(%dma_wait3A_92 : memref<128x128xf32, #tpu.memory_space<vmem>>)
    %mul3A_99 = arith.constant 640 : i32
    %mul3A_100 = arith.muli %add3A, %mul3A_99 : i32
    "tpu.region"() ({
      %run_scoped3A = tpu.sem_alloc : memref<!tpu.dma_semaphore, #tpu.memory_space<semaphore_mem>>
      %dma_start3A_101 = arith.constant 0 : i32
      %dma_start3A_102 = tpu.memref_slice %arg4[%mul3A_100, %dma_start3A_101] : memref<20480x128xf32, #tpu.memory_space<hbm>> -> memref<640x128xf32, #tpu.memory_space<hbm>>
      %dma_start3A_103 = arith.constant 0 : i32
      %dma_start3A_104 = tpu.memref_slice %arg4[%mul3A_100, %dma_start3A_103] : memref<20480x128xf32, #tpu.memory_space<hbm>> -> memref<640x128xf32, #tpu.memory_space<hbm>>
      tpu.enqueue_dma source(%arg6 : memref<640x128xf32, #tpu.memory_space<vmem>>) target(%dma_start3A_104 : memref<640x128xf32, #tpu.memory_space<hbm>>) target_semaphore(%run_scoped3A : memref<!tpu.dma_semaphore, #tpu.memory_space<semaphore_mem>>)
      %dma_wait3A_105 = arith.constant 0 : i32
      %dma_wait3A_106 = tpu.memref_slice %arg4[%mul3A_100, %dma_wait3A_105] : memref<20480x128xf32, #tpu.memory_space<hbm>> -> memref<640x128xf32, #tpu.memory_space<hbm>>
      %dma_wait3A_107 = arith.constant 0 : i32
      %dma_wait3A_108 = tpu.memref_slice %arg4[%mul3A_100, %dma_wait3A_107] : memref<20480x128xf32, #tpu.memory_space<hbm>> -> memref<640x128xf32, #tpu.memory_space<hbm>>
      tpu.wait_dma2 semaphore(%run_scoped3A : memref<!tpu.dma_semaphore, #tpu.memory_space<semaphore_mem>>) src(%arg6 : memref<640x128xf32, #tpu.memory_space<vmem>>) dst(%dma_wait3A_108 : memref<640x128xf32, #tpu.memory_space<hbm>>)
      tpu.yield
    }) : () -> ()
    return
  }
}

module attributes {stable_mosaic.version = 14 : i64} {
  func.func @_l1_body(%arg0: i32, %arg1: memref<2048x1024xf32, #tpu.memory_space<vmem>>, %arg2: memref<1024x128xf32, #tpu.memory_space<vmem>>, %arg3: memref<2048x128xf32, #tpu.memory_space<vmem>>, %arg4: memref<256x128xf32, #tpu.memory_space<vmem>>, %arg5: memref<256x1xf32, #tpu.memory_space<vmem>>, %arg6: memref<2048x128xf32, #tpu.memory_space<vmem>>, %arg7: memref<2048x128xf32, #tpu.memory_space<vmem>>) attributes {dimension_semantics = [#tpu.dimension_semantics<arbitrary>], iteration_bounds = array<i64: 8>, scalar_prefetch = 0 : i64, scratch_operands = 1 : i64, tpu.core_type = #tpu.core_type<tc>, window_params = [{transform_indices = @transform_0, window_bounds = array<i64: 2048, 1024>}, {transform_indices = @transform_1, window_bounds = array<i64: 1024, 128>}, {transform_indices = @transform_2, window_bounds = array<i64: 2048, 128>}, {pipeline_mode = #tpu.pipeline_mode<synchronous>, transform_indices = @transform_3, window_bounds = array<i64: 256, 128>}, {pipeline_mode = #tpu.pipeline_mode<synchronous>, transform_indices = @transform_4, window_bounds = array<i64: 256, 1>}, {pipeline_mode = #tpu.pipeline_mode<synchronous>, transform_indices = @transform_5, window_bounds = array<i64: 2048, 128>}]} {
    %eq3A = arith.constant 0 : i32
    %eq3A_0 = arith.cmpi eq, %arg0, %eq3A : i32
    %convert_element_type3A = arith.extui %eq3A_0 : i1 to i32
    %cond3A = arith.constant 0 : i32
    %cond3A_1 = arith.cmpi ne, %convert_element_type3A, %cond3A : i32
    scf.if %cond3A_1 {
      %broadcast_in_dim3A = arith.constant 0.000000e+00 : f32
      %broadcast_in_dim3A_18 = vector.broadcast %broadcast_in_dim3A : f32 to vector<2048x128xf32>
      %swap3A_19 = arith.constant 0 : index
      %swap3A_20 = arith.constant 0 : index
      %swap3A_21 = vector.load %arg7[%swap3A_19, %swap3A_20] : memref<2048x128xf32, #tpu.memory_space<vmem>>, vector<2048x128xf32>
      tpu.vector_store %arg7[%swap3A_19, %swap3A_20], %broadcast_in_dim3A_18 {strides = array<i32>} : memref<2048x128xf32, #tpu.memory_space<vmem>>, vector<2048x128xf32>,
    } else {
    }
    %get3A = arith.constant 0 : index
    %get3A_2 = arith.constant 0 : index
    %get3A_3 = vector.load %arg7[%get3A, %get3A_2] : memref<2048x128xf32, #tpu.memory_space<vmem>>, vector<2048x128xf32>
    %get3A_4 = arith.constant 0 : index
    %get3A_5 = arith.constant 0 : index
    %get3A_6 = vector.load %arg1[%get3A_4, %get3A_5] : memref<2048x1024xf32, #tpu.memory_space<vmem>>, vector<2048x1024xf32>
    %get3A_7 = arith.constant 0 : index
    %get3A_8 = arith.constant 0 : index
    %get3A_9 = vector.load %arg2[%get3A_7, %get3A_8] : memref<1024x128xf32, #tpu.memory_space<vmem>>, vector<1024x128xf32>
    %dot_general3A = arith.constant dense<0.000000e+00> : vector<2048x128xf32>
    %dot_general3A_10 = tpu.matmul %get3A_6, %get3A_9, %dot_general3A {dimension_numbers = #tpu.dot_dimension_numbers<[1], [0], [0], [1], [0, 0, 1, 1], [], []>, transpose_lhs_hint = false} : vector<2048x1024xf32>, vector<1024x128xf32>, vector<2048x128xf32> -> vector<2048x128xf32>
    %add3A = arith.addf %get3A_3, %dot_general3A_10 : vector<2048x128xf32>
    %swap3A = arith.constant 0 : index
    %swap3A_11 = arith.constant 0 : index
    %swap3A_12 = vector.load %arg7[%swap3A, %swap3A_11] : memref<2048x128xf32, #tpu.memory_space<vmem>>, vector<2048x128xf32>
    tpu.vector_store %arg7[%swap3A, %swap3A_11], %add3A {strides = array<i32>} : memref<2048x128xf32, #tpu.memory_space<vmem>>, vector<2048x128xf32>,
    %eq3A_13 = arith.constant 7 : i32
    %eq3A_14 = arith.cmpi eq, %arg0, %eq3A_13 : i32
    %convert_element_type3A_15 = arith.extui %eq3A_14 : i1 to i32
    %cond3A_16 = arith.constant 0 : i32
    %cond3A_17 = arith.cmpi ne, %convert_element_type3A_15, %cond3A_16 : i32
    scf.if %cond3A_17 {
      %get3A_18 = arith.constant 0 : index
      %get3A_19 = arith.constant 0 : index
      %get3A_20 = vector.load %arg4[%get3A_18, %get3A_19] : memref<256x128xf32, #tpu.memory_space<vmem>>, vector<256x128xf32>
      %get3A_21 = arith.constant 0 : index
      %get3A_22 = arith.constant 0 : index
      %get3A_23 = vector.load %arg7[%get3A_21, %get3A_22] : memref<2048x128xf32, #tpu.memory_space<vmem>>, vector<2048x128xf32>
      %slice3A = vector.extract_strided_slice %get3A_20 {offsets = [0, 0], sizes = [128, 128], strides = [1, 1]} : vector<256x128xf32> to vector<128x128xf32>
      %dot_general3A_24 = arith.constant dense<0.000000e+00> : vector<2048x128xf32>
      %dot_general3A_25 = tpu.matmul %get3A_23, %slice3A, %dot_general3A_24 {dimension_numbers = #tpu.dot_dimension_numbers<[1], [0], [0], [1], [0, 0, 1, 1], [], []>, transpose_lhs_hint = false} : vector<2048x128xf32>, vector<128x128xf32>, vector<2048x128xf32> -> vector<2048x128xf32>
      %get3A_26 = arith.constant 0 : index
      %get3A_27 = arith.constant 0 : index
      %get3A_28 = vector.load %arg3[%get3A_26, %get3A_27] : memref<2048x128xf32, #tpu.memory_space<vmem>>, vector<2048x128xf32>
      %slice3A_29 = vector.extract_strided_slice %get3A_20 {offsets = [128, 0], sizes = [128, 128], strides = [1, 1]} : vector<256x128xf32> to vector<128x128xf32>
      %dot_general3A_30 = arith.constant dense<0.000000e+00> : vector<2048x128xf32>
      %dot_general3A_31 = tpu.matmul %get3A_28, %slice3A_29, %dot_general3A_30 {dimension_numbers = #tpu.dot_dimension_numbers<[1], [0], [0], [1], [0, 0, 1, 1], [], []>, transpose_lhs_hint = false} : vector<2048x128xf32>, vector<128x128xf32>, vector<2048x128xf32> -> vector<2048x128xf32>
      %add3A_32 = arith.addf %dot_general3A_25, %dot_general3A_31 : vector<2048x128xf32>
      %get3A_33 = arith.constant 0 : index
      %get3A_34 = arith.constant 0 : index
      %get3A_35 = vector.load %arg5[%get3A_33, %get3A_34] : memref<256x1xf32, #tpu.memory_space<vmem>>, vector<128x1xf32>
      %dot_general3A_36 = arith.constant dense<0.000000e+00> : vector<2048x1xf32>
      %dot_general3A_37 = tpu.matmul %add3A_32, %get3A_35, %dot_general3A_36 {dimension_numbers = #tpu.dot_dimension_numbers<[1], [0], [0], [1], [0, 0, 1, 1], [], []>, transpose_lhs_hint = false} : vector<2048x128xf32>, vector<128x1xf32>, vector<2048x1xf32> -> vector<2048x1xf32>
      %reduce_max3A = vector.shape_cast %dot_general3A_37 : vector<2048x1xf32> to vector<1x2048x1xf32>
      %reduce_max3A_38 = arith.constant dense<0xFF800000> : vector<1xf32>
      %reduce_max3A_39 = vector.multi_reduction <maximumf>, %reduce_max3A, %reduce_max3A_38 [1, 2] : vector<1x2048x1xf32> to vector<1xf32>
      %reduce_max3A_40 = vector.shape_cast %reduce_max3A_39 : vector<1xf32> to vector<1x1x1xf32>
      %reduce_max3A_41 = vector.extract %reduce_max3A_40[0, 0, 0] : f32 from vector<1x1x1xf32>
      %sub3A = vector.broadcast %reduce_max3A_41 : f32 to vector<2048x1xf32>
      %sub3A_42 = arith.subf %dot_general3A_37, %sub3A : vector<2048x1xf32>
      %exp3A = math.exp %sub3A_42 : vector<2048x1xf32>
      %reduce_sum3A = vector.shape_cast %exp3A : vector<2048x1xf32> to vector<1x2048x1xf32>
      %reduce_sum3A_43 = arith.constant dense<0.000000e+00> : vector<1xf32>
      %reduce_sum3A_44 = vector.multi_reduction <add>, %reduce_sum3A, %reduce_sum3A_43 [1, 2] : vector<1x2048x1xf32> to vector<1xf32>
      %reduce_sum3A_45 = vector.shape_cast %reduce_sum3A_44 : vector<1xf32> to vector<1x1x1xf32>
      %reduce_sum3A_46 = vector.extract %reduce_sum3A_45[0, 0, 0] : f32 from vector<1x1x1xf32>
      %div3A = vector.broadcast %reduce_sum3A_46 : f32 to vector<2048x1xf32>
      %div3A_47 = arith.divf %exp3A, %div3A : vector<2048x1xf32>
      %mul3A = vector.broadcast %div3A_47 : vector<2048x1xf32> to vector<2048x128xf32>
      %mul3A_48 = arith.mulf %mul3A, %add3A_32 : vector<2048x128xf32>
      %swap3A_49 = arith.constant 0 : index
      %swap3A_50 = arith.constant 0 : index
      %swap3A_51 = vector.load %arg6[%swap3A_49, %swap3A_50] : memref<2048x128xf32, #tpu.memory_space<vmem>>, vector<2048x128xf32>
      tpu.vector_store %arg6[%swap3A_49, %swap3A_50], %mul3A_48 {strides = array<i32>} : memref<2048x128xf32, #tpu.memory_space<vmem>>, vector<2048x128xf32>,
    } else {
    }
    return
  }
  func.func @transform_0(%arg0: i32) -> (i32, i32) {
    %c0_i32 = arith.constant 0 : i32
    %c0_i32_0 = arith.constant 0 : i32
    return %c0_i32, %arg0 : i32, i32
  }
  func.func @transform_1(%arg0: i32) -> (i32, i32) {
    %add3A = arith.constant 10 : i32
    %add3A_0 = arith.addi %add3A, %arg0 : i32
    %c0_i32 = arith.constant 0 : i32
    %c0_i32_1 = arith.constant 0 : i32
    return %add3A_0, %c0_i32 : i32, i32
  }
  func.func @transform_2(%arg0: i32) -> (i32, i32) {
    %c9_i32 = arith.constant 9 : i32
    %c0_i32 = arith.constant 0 : i32
    %c0_i32_0 = arith.constant 0 : i32
    return %c9_i32, %c0_i32 : i32, i32
  }
  func.func @transform_3(%arg0: i32) -> (i32, i32) {
    %c0_i32 = arith.constant 0 : i32
    %c0_i32_0 = arith.constant 0 : i32
    %c0_i32_1 = arith.constant 0 : i32
    return %c0_i32, %c0_i32_0 : i32, i32
  }
  func.func @transform_4(%arg0: i32) -> (i32, i32) {
    %c0_i32 = arith.constant 0 : i32
    %c0_i32_0 = arith.constant 0 : i32
    %c0_i32_1 = arith.constant 0 : i32
    return %c0_i32, %c0_i32_0 : i32, i32
  }
  func.func @transform_5(%arg0: i32) -> (i32, i32) {
    %c0_i32 = arith.constant 0 : i32
    %c0_i32_0 = arith.constant 0 : i32
    %c0_i32_1 = arith.constant 0 : i32
    return %c0_i32, %c0_i32_0 : i32, i32
  }
}

module attributes {stable_mosaic.version = 14 : i64} {
  func.func @_l1_body(%arg0: i32, %arg1: memref<2048x1024xf32, #tpu.memory_space<vmem>>, %arg2: memref<1024x128xf32, #tpu.memory_space<vmem>>, %arg3: memref<2048x128xf32, #tpu.memory_space<vmem>>, %arg4: memref<256x128xf32, #tpu.memory_space<vmem>>, %arg5: memref<256x1xf32, #tpu.memory_space<vmem>>, %arg6: memref<2048x128xf32, #tpu.memory_space<vmem>>, %arg7: memref<2048x128xf32, #tpu.memory_space<vmem>>) attributes {dimension_semantics = [#tpu.dimension_semantics<arbitrary>], iteration_bounds = array<i64: 8>, scalar_prefetch = 0 : i64, scratch_operands = 1 : i64, tpu.core_type = #tpu.core_type<tc>, window_params = [{transform_indices = @transform_0, window_bounds = array<i64: 2048, 1024>}, {transform_indices = @transform_1, window_bounds = array<i64: 1024, 128>}, {transform_indices = @transform_2, window_bounds = array<i64: 2048, 128>}, {pipeline_mode = #tpu.pipeline_mode<synchronous>, transform_indices = @transform_3, window_bounds = array<i64: 256, 128>}, {pipeline_mode = #tpu.pipeline_mode<synchronous>, transform_indices = @transform_4, window_bounds = array<i64: 256, 1>}, {pipeline_mode = #tpu.pipeline_mode<synchronous>, transform_indices = @transform_5, window_bounds = array<i64: 2048, 128>}]} {
    %eq3A = arith.constant 0 : i32
    %eq3A_0 = arith.cmpi eq, %arg0, %eq3A : i32
    %convert_element_type3A = arith.extui %eq3A_0 : i1 to i32
    %cond3A = arith.constant 0 : i32
    %cond3A_1 = arith.cmpi ne, %convert_element_type3A, %cond3A : i32
    scf.if %cond3A_1 {
      %broadcast_in_dim3A = arith.constant 0.000000e+00 : f32
      %broadcast_in_dim3A_18 = vector.broadcast %broadcast_in_dim3A : f32 to vector<2048x128xf32>
      %swap3A_19 = arith.constant 0 : index
      %swap3A_20 = arith.constant 0 : index
      %swap3A_21 = vector.load %arg7[%swap3A_19, %swap3A_20] : memref<2048x128xf32, #tpu.memory_space<vmem>>, vector<2048x128xf32>
      tpu.vector_store %arg7[%swap3A_19, %swap3A_20], %broadcast_in_dim3A_18 {strides = array<i32>} : memref<2048x128xf32, #tpu.memory_space<vmem>>, vector<2048x128xf32>,
    } else {
    }
    %get3A = arith.constant 0 : index
    %get3A_2 = arith.constant 0 : index
    %get3A_3 = vector.load %arg7[%get3A, %get3A_2] : memref<2048x128xf32, #tpu.memory_space<vmem>>, vector<2048x128xf32>
    %get3A_4 = arith.constant 0 : index
    %get3A_5 = arith.constant 0 : index
    %get3A_6 = vector.load %arg1[%get3A_4, %get3A_5] : memref<2048x1024xf32, #tpu.memory_space<vmem>>, vector<2048x1024xf32>
    %get3A_7 = arith.constant 0 : index
    %get3A_8 = arith.constant 0 : index
    %get3A_9 = vector.load %arg2[%get3A_7, %get3A_8] : memref<1024x128xf32, #tpu.memory_space<vmem>>, vector<1024x128xf32>
    %dot_general3A = arith.constant dense<0.000000e+00> : vector<2048x128xf32>
    %dot_general3A_10 = tpu.matmul %get3A_6, %get3A_9, %dot_general3A {dimension_numbers = #tpu.dot_dimension_numbers<[1], [0], [0], [1], [0, 0, 1, 1], [], []>, transpose_lhs_hint = false} : vector<2048x1024xf32>, vector<1024x128xf32>, vector<2048x128xf32> -> vector<2048x128xf32>
    %add3A = arith.addf %get3A_3, %dot_general3A_10 : vector<2048x128xf32>
    %swap3A = arith.constant 0 : index
    %swap3A_11 = arith.constant 0 : index
    %swap3A_12 = vector.load %arg7[%swap3A, %swap3A_11] : memref<2048x128xf32, #tpu.memory_space<vmem>>, vector<2048x128xf32>
    tpu.vector_store %arg7[%swap3A, %swap3A_11], %add3A {strides = array<i32>} : memref<2048x128xf32, #tpu.memory_space<vmem>>, vector<2048x128xf32>,
    %eq3A_13 = arith.constant 7 : i32
    %eq3A_14 = arith.cmpi eq, %arg0, %eq3A_13 : i32
    %convert_element_type3A_15 = arith.extui %eq3A_14 : i1 to i32
    %cond3A_16 = arith.constant 0 : i32
    %cond3A_17 = arith.cmpi ne, %convert_element_type3A_15, %cond3A_16 : i32
    scf.if %cond3A_17 {
      %get3A_18 = arith.constant 0 : index
      %get3A_19 = arith.constant 0 : index
      %get3A_20 = vector.load %arg4[%get3A_18, %get3A_19] : memref<256x128xf32, #tpu.memory_space<vmem>>, vector<256x128xf32>
      %get3A_21 = arith.constant 0 : index
      %get3A_22 = arith.constant 0 : index
      %get3A_23 = vector.load %arg7[%get3A_21, %get3A_22] : memref<2048x128xf32, #tpu.memory_space<vmem>>, vector<2048x128xf32>
      %slice3A = vector.extract_strided_slice %get3A_20 {offsets = [0, 0], sizes = [128, 128], strides = [1, 1]} : vector<256x128xf32> to vector<128x128xf32>
      %dot_general3A_24 = arith.constant dense<0.000000e+00> : vector<2048x128xf32>
      %dot_general3A_25 = tpu.matmul %get3A_23, %slice3A, %dot_general3A_24 {dimension_numbers = #tpu.dot_dimension_numbers<[1], [0], [0], [1], [0, 0, 1, 1], [], []>, transpose_lhs_hint = false} : vector<2048x128xf32>, vector<128x128xf32>, vector<2048x128xf32> -> vector<2048x128xf32>
      %get3A_26 = arith.constant 0 : index
      %get3A_27 = arith.constant 0 : index
      %get3A_28 = vector.load %arg3[%get3A_26, %get3A_27] : memref<2048x128xf32, #tpu.memory_space<vmem>>, vector<2048x128xf32>
      %slice3A_29 = vector.extract_strided_slice %get3A_20 {offsets = [128, 0], sizes = [128, 128], strides = [1, 1]} : vector<256x128xf32> to vector<128x128xf32>
      %dot_general3A_30 = arith.constant dense<0.000000e+00> : vector<2048x128xf32>
      %dot_general3A_31 = tpu.matmul %get3A_28, %slice3A_29, %dot_general3A_30 {dimension_numbers = #tpu.dot_dimension_numbers<[1], [0], [0], [1], [0, 0, 1, 1], [], []>, transpose_lhs_hint = false} : vector<2048x128xf32>, vector<128x128xf32>, vector<2048x128xf32> -> vector<2048x128xf32>
      %add3A_32 = arith.addf %dot_general3A_25, %dot_general3A_31 : vector<2048x128xf32>
      %get3A_33 = arith.constant 0 : index
      %get3A_34 = arith.constant 0 : index
      %get3A_35 = vector.load %arg5[%get3A_33, %get3A_34] : memref<256x1xf32, #tpu.memory_space<vmem>>, vector<128x1xf32>
      %dot_general3A_36 = arith.constant dense<0.000000e+00> : vector<2048x1xf32>
      %dot_general3A_37 = tpu.matmul %add3A_32, %get3A_35, %dot_general3A_36 {dimension_numbers = #tpu.dot_dimension_numbers<[1], [0], [0], [1], [0, 0, 1, 1], [], []>, transpose_lhs_hint = false} : vector<2048x128xf32>, vector<128x1xf32>, vector<2048x1xf32> -> vector<2048x1xf32>
      %reduce_max3A = vector.shape_cast %dot_general3A_37 : vector<2048x1xf32> to vector<1x2048x1xf32>
      %reduce_max3A_38 = arith.constant dense<0xFF800000> : vector<1xf32>
      %reduce_max3A_39 = vector.multi_reduction <maximumf>, %reduce_max3A, %reduce_max3A_38 [1, 2] : vector<1x2048x1xf32> to vector<1xf32>
      %reduce_max3A_40 = vector.shape_cast %reduce_max3A_39 : vector<1xf32> to vector<1x1x1xf32>
      %reduce_max3A_41 = vector.extract %reduce_max3A_40[0, 0, 0] : f32 from vector<1x1x1xf32>
      %sub3A = vector.broadcast %reduce_max3A_41 : f32 to vector<2048x1xf32>
      %sub3A_42 = arith.subf %dot_general3A_37, %sub3A : vector<2048x1xf32>
      %exp3A = math.exp %sub3A_42 : vector<2048x1xf32>
      %reduce_sum3A = vector.shape_cast %exp3A : vector<2048x1xf32> to vector<1x2048x1xf32>
      %reduce_sum3A_43 = arith.constant dense<0.000000e+00> : vector<1xf32>
      %reduce_sum3A_44 = vector.multi_reduction <add>, %reduce_sum3A, %reduce_sum3A_43 [1, 2] : vector<1x2048x1xf32> to vector<1xf32>
      %reduce_sum3A_45 = vector.shape_cast %reduce_sum3A_44 : vector<1xf32> to vector<1x1x1xf32>
      %reduce_sum3A_46 = vector.extract %reduce_sum3A_45[0, 0, 0] : f32 from vector<1x1x1xf32>
      %div3A = vector.broadcast %reduce_sum3A_46 : f32 to vector<2048x1xf32>
      %div3A_47 = arith.divf %exp3A, %div3A : vector<2048x1xf32>
      %mul3A = vector.broadcast %div3A_47 : vector<2048x1xf32> to vector<2048x128xf32>
      %mul3A_48 = arith.mulf %mul3A, %add3A_32 : vector<2048x128xf32>
      %swap3A_49 = arith.constant 0 : index
      %swap3A_50 = arith.constant 0 : index
      %swap3A_51 = vector.load %arg6[%swap3A_49, %swap3A_50] : memref<2048x128xf32, #tpu.memory_space<vmem>>, vector<2048x128xf32>
      tpu.vector_store %arg6[%swap3A_49, %swap3A_50], %mul3A_48 {strides = array<i32>} : memref<2048x128xf32, #tpu.memory_space<vmem>>, vector<2048x128xf32>,
    } else {
    }
    return
  }
  func.func @transform_0(%arg0: i32) -> (i32, i32) {
    %c0_i32 = arith.constant 0 : i32
    %c0_i32_0 = arith.constant 0 : i32
    return %c0_i32, %arg0 : i32, i32
  }
  func.func @transform_1(%arg0: i32) -> (i32, i32) {
    %add3A = arith.constant 0 : i32
    %add3A_0 = arith.addi %add3A, %arg0 : i32
    %c0_i32 = arith.constant 0 : i32
    %c0_i32_1 = arith.constant 0 : i32
    return %add3A_0, %c0_i32 : i32, i32
  }
  func.func @transform_2(%arg0: i32) -> (i32, i32) {
    %c4_i32 = arith.constant 4 : i32
    %c0_i32 = arith.constant 0 : i32
    %c0_i32_0 = arith.constant 0 : i32
    return %c4_i32, %c0_i32 : i32, i32
  }
  func.func @transform_3(%arg0: i32) -> (i32, i32) {
    %c0_i32 = arith.constant 0 : i32
    %c0_i32_0 = arith.constant 0 : i32
    %c0_i32_1 = arith.constant 0 : i32
    return %c0_i32, %c0_i32_0 : i32, i32
  }
  func.func @transform_4(%arg0: i32) -> (i32, i32) {
    %c0_i32 = arith.constant 0 : i32
    %c0_i32_0 = arith.constant 0 : i32
    %c0_i32_1 = arith.constant 0 : i32
    return %c0_i32, %c0_i32_0 : i32, i32
  }
  func.func @transform_5(%arg0: i32) -> (i32, i32) {
    %c0_i32 = arith.constant 0 : i32
    %c0_i32_0 = arith.constant 0 : i32
    %c0_i32_1 = arith.constant 0 : i32
    return %c0_i32, %c0_i32_0 : i32, i32
  }
}

module attributes {stable_mosaic.version = 14 : i64} {
  func.func @_l2_body(%arg0: i32, %arg1: memref<512x128xf32, #tpu.memory_space<vmem>>, %arg2: memref<512x128xf32, #tpu.memory_space<vmem>>, %arg3: memref<512x128xf32, #tpu.memory_space<vmem>>, %arg4: memref<512x128xf32, #tpu.memory_space<vmem>>, %arg5: memref<512x512xf32, #tpu.memory_space<vmem>>, %arg6: memref<512x512xf32, #tpu.memory_space<vmem>>, %arg7: memref<256x128xf32, #tpu.memory_space<vmem>>, %arg8: memref<256x1xf32, #tpu.memory_space<vmem>>, %arg9: memref<128x2xf32, #tpu.memory_space<vmem>>, %arg10: memref<512x2xf32, #tpu.memory_space<vmem>>, %arg11: memref<512x128xf32, #tpu.memory_space<vmem>>, %arg12: memref<512x128xf32, #tpu.memory_space<vmem>>) attributes {dimension_semantics = [#tpu.dimension_semantics<arbitrary>], iteration_bounds = array<i64: 4>, scalar_prefetch = 0 : i64, scratch_operands = 2 : i64, tpu.core_type = #tpu.core_type<tc>, window_params = [{transform_indices = @transform_0, window_bounds = array<i64: 512, 128>}, {transform_indices = @transform_1, window_bounds = array<i64: 512, 128>}, {transform_indices = @transform_2, window_bounds = array<i64: 512, 128>}, {transform_indices = @transform_3, window_bounds = array<i64: 512, 128>}, {transform_indices = @transform_4, window_bounds = array<i64: 512, 512>}, {transform_indices = @transform_5, window_bounds = array<i64: 512, 512>}, {pipeline_mode = #tpu.pipeline_mode<synchronous>, transform_indices = @transform_6, window_bounds = array<i64: 256, 128>}, {pipeline_mode = #tpu.pipeline_mode<synchronous>, transform_indices = @transform_7, window_bounds = array<i64: 256, 1>}, {pipeline_mode = #tpu.pipeline_mode<synchronous>, transform_indices = @transform_8, window_bounds = array<i64: 128, 2>}, {pipeline_mode = #tpu.pipeline_mode<synchronous>, transform_indices = @transform_9, window_bounds = array<i64: 512, 2>}]} {
    %eq3A = arith.constant 0 : i32
    %eq3A_0 = arith.cmpi eq, %arg0, %eq3A : i32
    %convert_element_type3A = arith.extui %eq3A_0 : i1 to i32
    %cond3A = arith.constant 0 : i32
    %cond3A_1 = arith.cmpi ne, %convert_element_type3A, %cond3A : i32
    scf.if %cond3A_1 {
      %broadcast_in_dim3A = arith.constant 0.000000e+00 : f32
      %broadcast_in_dim3A_33 = vector.broadcast %broadcast_in_dim3A : f32 to vector<512x128xf32>
      %swap3A_34 = arith.constant 0 : index
      %swap3A_35 = arith.constant 0 : index
      %swap3A_36 = vector.load %arg11[%swap3A_34, %swap3A_35] : memref<512x128xf32, #tpu.memory_space<vmem>>, vector<512x128xf32>
      tpu.vector_store %arg11[%swap3A_34, %swap3A_35], %broadcast_in_dim3A_33 {strides = array<i32>} : memref<512x128xf32, #tpu.memory_space<vmem>>, vector<512x128xf32>,
      %broadcast_in_dim3A_37 = arith.constant 0.000000e+00 : f32
      %broadcast_in_dim3A_38 = vector.broadcast %broadcast_in_dim3A_37 : f32 to vector<512x128xf32>
      %swap3A_39 = arith.constant 0 : index
      %swap3A_40 = arith.constant 0 : index
      %swap3A_41 = vector.load %arg12[%swap3A_39, %swap3A_40] : memref<512x128xf32, #tpu.memory_space<vmem>>, vector<512x128xf32>
      tpu.vector_store %arg12[%swap3A_39, %swap3A_40], %broadcast_in_dim3A_38 {strides = array<i32>} : memref<512x128xf32, #tpu.memory_space<vmem>>, vector<512x128xf32>,
    } else {
    }
    %get3A = arith.constant 0 : index
    %get3A_2 = arith.constant 0 : index
    %get3A_3 = vector.load %arg11[%get3A, %get3A_2] : memref<512x128xf32, #tpu.memory_space<vmem>>, vector<512x128xf32>
    %get3A_4 = arith.constant 0 : index
    %get3A_5 = arith.constant 0 : index
    %get3A_6 = vector.load %arg5[%get3A_4, %get3A_5] : memref<512x512xf32, #tpu.memory_space<vmem>>, vector<512x512xf32>
    %get3A_7 = arith.constant 0 : index
    %get3A_8 = arith.constant 0 : index
    %get3A_9 = vector.load %arg1[%get3A_7, %get3A_8] : memref<512x128xf32, #tpu.memory_space<vmem>>, vector<512x128xf32>
    %dot_general3A = arith.constant dense<0.000000e+00> : vector<512x128xf32>
    %dot_general3A_10 = tpu.matmul %get3A_6, %get3A_9, %dot_general3A {dimension_numbers = #tpu.dot_dimension_numbers<[1], [0], [0], [1], [0, 0, 1, 1], [], []>, transpose_lhs_hint = false} : vector<512x512xf32>, vector<512x128xf32>, vector<512x128xf32> -> vector<512x128xf32>
    %add3A = arith.addf %get3A_3, %dot_general3A_10 : vector<512x128xf32>
    %swap3A = arith.constant 0 : index
    %swap3A_11 = arith.constant 0 : index
    %swap3A_12 = vector.load %arg11[%swap3A, %swap3A_11] : memref<512x128xf32, #tpu.memory_space<vmem>>, vector<512x128xf32>
    tpu.vector_store %arg11[%swap3A, %swap3A_11], %add3A {strides = array<i32>} : memref<512x128xf32, #tpu.memory_space<vmem>>, vector<512x128xf32>,
    %get3A_13 = arith.constant 0 : index
    %get3A_14 = arith.constant 0 : index
    %get3A_15 = vector.load %arg12[%get3A_13, %get3A_14] : memref<512x128xf32, #tpu.memory_space<vmem>>, vector<512x128xf32>
    %get3A_16 = arith.constant 0 : index
    %get3A_17 = arith.constant 0 : index
    %get3A_18 = vector.load %arg6[%get3A_16, %get3A_17] : memref<512x512xf32, #tpu.memory_space<vmem>>, vector<512x512xf32>
    %get3A_19 = arith.constant 0 : index
    %get3A_20 = arith.constant 0 : index
    %get3A_21 = vector.load %arg3[%get3A_19, %get3A_20] : memref<512x128xf32, #tpu.memory_space<vmem>>, vector<512x128xf32>
    %dot_general3A_22 = arith.constant dense<0.000000e+00> : vector<512x128xf32>
    %dot_general3A_23 = tpu.matmul %get3A_18, %get3A_21, %dot_general3A_22 {dimension_numbers = #tpu.dot_dimension_numbers<[1], [0], [0], [1], [0, 0, 1, 1], [], []>, transpose_lhs_hint = false} : vector<512x512xf32>, vector<512x128xf32>, vector<512x128xf32> -> vector<512x128xf32>
    %add3A_24 = arith.addf %get3A_15, %dot_general3A_23 : vector<512x128xf32>
    %swap3A_25 = arith.constant 0 : index
    %swap3A_26 = arith.constant 0 : index
    %swap3A_27 = vector.load %arg12[%swap3A_25, %swap3A_26] : memref<512x128xf32, #tpu.memory_space<vmem>>, vector<512x128xf32>
    tpu.vector_store %arg12[%swap3A_25, %swap3A_26], %add3A_24 {strides = array<i32>} : memref<512x128xf32, #tpu.memory_space<vmem>>, vector<512x128xf32>,
    %eq3A_28 = arith.constant 3 : i32
    %eq3A_29 = arith.cmpi eq, %arg0, %eq3A_28 : i32
    %convert_element_type3A_30 = arith.extui %eq3A_29 : i1 to i32
    %cond3A_31 = arith.constant 0 : i32
    %cond3A_32 = arith.cmpi ne, %convert_element_type3A_30, %cond3A_31 : i32
    scf.if %cond3A_32 {
      %get3A_33 = arith.constant 0 : index
      %get3A_34 = arith.constant 0 : index
      %get3A_35 = vector.load %arg7[%get3A_33, %get3A_34] : memref<256x128xf32, #tpu.memory_space<vmem>>, vector<256x128xf32>
      %get3A_36 = arith.constant 0 : index
      %get3A_37 = arith.constant 0 : index
      %get3A_38 = vector.load %arg8[%get3A_36, %get3A_37] : memref<256x1xf32, #tpu.memory_space<vmem>>, vector<128x1xf32>
      %get3A_39 = arith.constant 0 : index
      %get3A_40 = arith.constant 0 : index
      %get3A_41 = vector.load %arg11[%get3A_39, %get3A_40] : memref<512x128xf32, #tpu.memory_space<vmem>>, vector<512x128xf32>
      %get3A_42 = arith.constant 0 : index
      %get3A_43 = arith.constant 0 : index
      %get3A_44 = vector.load %arg2[%get3A_42, %get3A_43] : memref<512x128xf32, #tpu.memory_space<vmem>>, vector<512x128xf32>
      %slice3A = vector.extract_strided_slice %get3A_35 {offsets = [0, 0], sizes = [128, 128], strides = [1, 1]} : vector<256x128xf32> to vector<128x128xf32>
      %dot_general3A_45 = arith.constant dense<0.000000e+00> : vector<512x128xf32>
      %dot_general3A_46 = tpu.matmul %get3A_41, %slice3A, %dot_general3A_45 {dimension_numbers = #tpu.dot_dimension_numbers<[1], [0], [0], [1], [0, 0, 1, 1], [], []>, transpose_lhs_hint = false} : vector<512x128xf32>, vector<128x128xf32>, vector<512x128xf32> -> vector<512x128xf32>
      %slice3A_47 = vector.extract_strided_slice %get3A_35 {offsets = [128, 0], sizes = [128, 128], strides = [1, 1]} : vector<256x128xf32> to vector<128x128xf32>
      %dot_general3A_48 = arith.constant dense<0.000000e+00> : vector<512x128xf32>
      %dot_general3A_49 = tpu.matmul %get3A_44, %slice3A_47, %dot_general3A_48 {dimension_numbers = #tpu.dot_dimension_numbers<[1], [0], [0], [1], [0, 0, 1, 1], [], []>, transpose_lhs_hint = false} : vector<512x128xf32>, vector<128x128xf32>, vector<512x128xf32> -> vector<512x128xf32>
      %add3A_50 = arith.addf %dot_general3A_46, %dot_general3A_49 : vector<512x128xf32>
      %dot_general3A_51 = arith.constant dense<0.000000e+00> : vector<512x1xf32>
      %dot_general3A_52 = tpu.matmul %add3A_50, %get3A_38, %dot_general3A_51 {dimension_numbers = #tpu.dot_dimension_numbers<[1], [0], [0], [1], [0, 0, 1, 1], [], []>, transpose_lhs_hint = false} : vector<512x128xf32>, vector<128x1xf32>, vector<512x1xf32> -> vector<512x1xf32>
      %reduce_max3A = vector.shape_cast %dot_general3A_52 : vector<512x1xf32> to vector<1x512x1xf32>
      %reduce_max3A_53 = arith.constant dense<0xFF800000> : vector<1xf32>
      %reduce_max3A_54 = vector.multi_reduction <maximumf>, %reduce_max3A, %reduce_max3A_53 [1, 2] : vector<1x512x1xf32> to vector<1xf32>
      %reduce_max3A_55 = vector.shape_cast %reduce_max3A_54 : vector<1xf32> to vector<1x1x1xf32>
      %reduce_max3A_56 = vector.extract %reduce_max3A_55[0, 0, 0] : f32 from vector<1x1x1xf32>
      %sub3A = vector.broadcast %reduce_max3A_56 : f32 to vector<512x1xf32>
      %sub3A_57 = arith.subf %dot_general3A_52, %sub3A : vector<512x1xf32>
      %exp3A = math.exp %sub3A_57 : vector<512x1xf32>
      %reduce_sum3A = vector.shape_cast %exp3A : vector<512x1xf32> to vector<1x512x1xf32>
      %reduce_sum3A_58 = arith.constant dense<0.000000e+00> : vector<1xf32>
      %reduce_sum3A_59 = vector.multi_reduction <add>, %reduce_sum3A, %reduce_sum3A_58 [1, 2] : vector<1x512x1xf32> to vector<1xf32>
      %reduce_sum3A_60 = vector.shape_cast %reduce_sum3A_59 : vector<1xf32> to vector<1x1x1xf32>
      %reduce_sum3A_61 = vector.extract %reduce_sum3A_60[0, 0, 0] : f32 from vector<1x1x1xf32>
      %div3A = vector.broadcast %reduce_sum3A_61 : f32 to vector<512x1xf32>
      %div3A_62 = arith.divf %exp3A, %div3A : vector<512x1xf32>
      %mul3A = vector.broadcast %div3A_62 : vector<512x1xf32> to vector<512x128xf32>
      %mul3A_63 = arith.mulf %mul3A, %add3A_50 : vector<512x128xf32>
      %get3A_64 = arith.constant 0 : index
      %get3A_65 = arith.constant 0 : index
      %get3A_66 = vector.load %arg12[%get3A_64, %get3A_65] : memref<512x128xf32, #tpu.memory_space<vmem>>, vector<512x128xf32>
      %get3A_67 = arith.constant 0 : index
      %get3A_68 = arith.constant 0 : index
      %get3A_69 = vector.load %arg4[%get3A_67, %get3A_68] : memref<512x128xf32, #tpu.memory_space<vmem>>, vector<512x128xf32>
      %slice3A_70 = vector.extract_strided_slice %get3A_35 {offsets = [0, 0], sizes = [128, 128], strides = [1, 1]} : vector<256x128xf32> to vector<128x128xf32>
      %dot_general3A_71 = arith.constant dense<0.000000e+00> : vector<512x128xf32>
      %dot_general3A_72 = tpu.matmul %get3A_66, %slice3A_70, %dot_general3A_71 {dimension_numbers = #tpu.dot_dimension_numbers<[1], [0], [0], [1], [0, 0, 1, 1], [], []>, transpose_lhs_hint = false} : vector<512x128xf32>, vector<128x128xf32>, vector<512x128xf32> -> vector<512x128xf32>
      %slice3A_73 = vector.extract_strided_slice %get3A_35 {offsets = [128, 0], sizes = [128, 128], strides = [1, 1]} : vector<256x128xf32> to vector<128x128xf32>
      %dot_general3A_74 = arith.constant dense<0.000000e+00> : vector<512x128xf32>
      %dot_general3A_75 = tpu.matmul %get3A_69, %slice3A_73, %dot_general3A_74 {dimension_numbers = #tpu.dot_dimension_numbers<[1], [0], [0], [1], [0, 0, 1, 1], [], []>, transpose_lhs_hint = false} : vector<512x128xf32>, vector<128x128xf32>, vector<512x128xf32> -> vector<512x128xf32>
      %add3A_76 = arith.addf %dot_general3A_72, %dot_general3A_75 : vector<512x128xf32>
      %dot_general3A_77 = arith.constant dense<0.000000e+00> : vector<512x1xf32>
      %dot_general3A_78 = tpu.matmul %add3A_76, %get3A_38, %dot_general3A_77 {dimension_numbers = #tpu.dot_dimension_numbers<[1], [0], [0], [1], [0, 0, 1, 1], [], []>, transpose_lhs_hint = false} : vector<512x128xf32>, vector<128x1xf32>, vector<512x1xf32> -> vector<512x1xf32>
      %reduce_max3A_79 = vector.shape_cast %dot_general3A_78 : vector<512x1xf32> to vector<1x512x1xf32>
      %reduce_max3A_80 = arith.constant dense<0xFF800000> : vector<1xf32>
      %reduce_max3A_81 = vector.multi_reduction <maximumf>, %reduce_max3A_79, %reduce_max3A_80 [1, 2] : vector<1x512x1xf32> to vector<1xf32>
      %reduce_max3A_82 = vector.shape_cast %reduce_max3A_81 : vector<1xf32> to vector<1x1x1xf32>
      %reduce_max3A_83 = vector.extract %reduce_max3A_82[0, 0, 0] : f32 from vector<1x1x1xf32>
      %sub3A_84 = vector.broadcast %reduce_max3A_83 : f32 to vector<512x1xf32>
      %sub3A_85 = arith.subf %dot_general3A_78, %sub3A_84 : vector<512x1xf32>
      %exp3A_86 = math.exp %sub3A_85 : vector<512x1xf32>
      %reduce_sum3A_87 = vector.shape_cast %exp3A_86 : vector<512x1xf32> to vector<1x512x1xf32>
      %reduce_sum3A_88 = arith.constant dense<0.000000e+00> : vector<1xf32>
      %reduce_sum3A_89 = vector.multi_reduction <add>, %reduce_sum3A_87, %reduce_sum3A_88 [1, 2] : vector<1x512x1xf32> to vector<1xf32>
      %reduce_sum3A_90 = vector.shape_cast %reduce_sum3A_89 : vector<1xf32> to vector<1x1x1xf32>
      %reduce_sum3A_91 = vector.extract %reduce_sum3A_90[0, 0, 0] : f32 from vector<1x1x1xf32>
      %div3A_92 = vector.broadcast %reduce_sum3A_91 : f32 to vector<512x1xf32>
      %div3A_93 = arith.divf %exp3A_86, %div3A_92 : vector<512x1xf32>
      %mul3A_94 = vector.broadcast %div3A_93 : vector<512x1xf32> to vector<512x128xf32>
      %mul3A_95 = arith.mulf %mul3A_94, %add3A_76 : vector<512x128xf32>
      %add3A_96 = arith.addf %mul3A_63, %mul3A_95 : vector<512x128xf32>
      %mul3A_97 = arith.mulf %add3A_96, %add3A_96 : vector<512x128xf32>
      %reduce_sum3A_98 = arith.constant dense<0.000000e+00> : vector<512xf32>
      %reduce_sum3A_99 = vector.multi_reduction <add>, %mul3A_97, %reduce_sum3A_98 [1] : vector<512x128xf32> to vector<512xf32>
      %broadcast_in_dim3A = vector.shape_cast %reduce_sum3A_99 : vector<512xf32> to vector<512x1xf32>
      %max3A = arith.constant 9.99999996E-13 : f32
      %max3A_100 = vector.broadcast %max3A : f32 to vector<512x1xf32>
      %max3A_101 = arith.maximumf %broadcast_in_dim3A, %max3A_100 : vector<512x1xf32>
      %rsqrt3A = math.rsqrt %max3A_101 : vector<512x1xf32>
      %mul3A_102 = vector.broadcast %rsqrt3A : vector<512x1xf32> to vector<512x128xf32>
      %mul3A_103 = arith.mulf %add3A_96, %mul3A_102 : vector<512x128xf32>
      %get3A_104 = arith.constant 0 : index
      %get3A_105 = arith.constant 0 : index
      %get3A_106 = vector.load %arg9[%get3A_104, %get3A_105] : memref<128x2xf32, #tpu.memory_space<vmem>>, vector<128x2xf32>
      %dot_general3A_107 = arith.constant dense<0.000000e+00> : vector<512x2xf32>
      %dot_general3A_108 = tpu.matmul %mul3A_103, %get3A_106, %dot_general3A_107 {dimension_numbers = #tpu.dot_dimension_numbers<[1], [0], [0], [1], [0, 0, 1, 1], [], []>, transpose_lhs_hint = false} : vector<512x128xf32>, vector<128x2xf32>, vector<512x2xf32> -> vector<512x2xf32>
      %reduce_max3A_109 = arith.constant dense<0xFF800000> : vector<512xf32>
      %reduce_max3A_110 = vector.multi_reduction <maximumf>, %dot_general3A_108, %reduce_max3A_109 [1] : vector<512x2xf32> to vector<512xf32>
      %broadcast_in_dim3A_111 = vector.shape_cast %reduce_max3A_110 : vector<512xf32> to vector<512x1xf32>
      %sub3A_112 = vector.broadcast %broadcast_in_dim3A_111 : vector<512x1xf32> to vector<512x2xf32>
      %sub3A_113 = arith.subf %dot_general3A_108, %sub3A_112 : vector<512x2xf32>
      %exp3A_114 = math.exp %sub3A_113 : vector<512x2xf32>
      %reduce_sum3A_115 = arith.constant dense<0.000000e+00> : vector<512xf32>
      %reduce_sum3A_116 = vector.multi_reduction <add>, %exp3A_114, %reduce_sum3A_115 [1] : vector<512x2xf32> to vector<512xf32>
      %broadcast_in_dim3A_117 = vector.shape_cast %reduce_sum3A_116 : vector<512xf32> to vector<512x1xf32>
      %div3A_118 = vector.broadcast %broadcast_in_dim3A_117 : vector<512x1xf32> to vector<512x2xf32>
      %div3A_119 = arith.divf %exp3A_114, %div3A_118 : vector<512x2xf32>
      %swap3A_120 = arith.constant 0 : index
      %swap3A_121 = arith.constant 0 : index
      %swap3A_122 = vector.load %arg10[%swap3A_120, %swap3A_121] : memref<512x2xf32, #tpu.memory_space<vmem>>, vector<512x2xf32>
      tpu.vector_store %arg10[%swap3A_120, %swap3A_121], %div3A_119 {strides = array<i32>} : memref<512x2xf32, #tpu.memory_space<vmem>>, vector<512x2xf32>,
    } else {
    }
    return
  }
  func.func @transform_0(%arg0: i32) -> (i32, i32) {
    %c0_i32 = arith.constant 0 : i32
    %c0_i32_0 = arith.constant 0 : i32
    return %arg0, %c0_i32 : i32, i32
  }
  func.func @transform_1(%arg0: i32) -> (i32, i32) {
    %c4_i32 = arith.constant 4 : i32
    %c0_i32 = arith.constant 0 : i32
    %c0_i32_0 = arith.constant 0 : i32
    return %c4_i32, %c0_i32 : i32, i32
  }
  func.func @transform_2(%arg0: i32) -> (i32, i32) {
    %c0_i32 = arith.constant 0 : i32
    %c0_i32_0 = arith.constant 0 : i32
    return %arg0, %c0_i32 : i32, i32
  }
  func.func @transform_3(%arg0: i32) -> (i32, i32) {
    %c4_i32 = arith.constant 4 : i32
    %c0_i32 = arith.constant 0 : i32
    %c0_i32_0 = arith.constant 0 : i32
    return %c4_i32, %c0_i32 : i32, i32
  }
  func.func @transform_4(%arg0: i32) -> (i32, i32) {
    %c0_i32 = arith.constant 0 : i32
    %c0_i32_0 = arith.constant 0 : i32
    return %c0_i32, %arg0 : i32, i32
  }
  func.func @transform_5(%arg0: i32) -> (i32, i32) {
    %c0_i32 = arith.constant 0 : i32
    %c0_i32_0 = arith.constant 0 : i32
    return %c0_i32, %arg0 : i32, i32
  }
  func.func @transform_6(%arg0: i32) -> (i32, i32) {
    %c0_i32 = arith.constant 0 : i32
    %c0_i32_0 = arith.constant 0 : i32
    %c0_i32_1 = arith.constant 0 : i32
    return %c0_i32, %c0_i32_0 : i32, i32
  }
  func.func @transform_7(%arg0: i32) -> (i32, i32) {
    %c0_i32 = arith.constant 0 : i32
    %c0_i32_0 = arith.constant 0 : i32
    %c0_i32_1 = arith.constant 0 : i32
    return %c0_i32, %c0_i32_0 : i32, i32
  }
  func.func @transform_8(%arg0: i32) -> (i32, i32) {
    %c0_i32 = arith.constant 0 : i32
    %c0_i32_0 = arith.constant 0 : i32
    %c0_i32_1 = arith.constant 0 : i32
    return %c0_i32, %c0_i32_0 : i32, i32
  }
  func.func @transform_9(%arg0: i32) -> (i32, i32) {
    %c0_i32 = arith.constant 0 : i32
    %c0_i32_0 = arith.constant 0 : i32
    %c0_i32_1 = arith.constant 0 : i32
    return %c0_i32, %c0_i32_0 : i32, i32
  }
}

</mosaic_0001>

<sc_bundles>
// kernel: gather_offload_async_start
scs
__scs_entry_jumppad:
0x0: {  	(pc) =	sbr.rel $0x88, $3  }
0x1: {  	(tag) =	ssettag $0x0;
	lr =	simm.s32 $0x1  }
0x2: {  	[smem:$0x3F8E] =	sst lr;
	_ =	strace $0xD0000000  }
0x3: {  	_ = 	snop  }
0x4: {  	_ = 	snop  }
0x5: {  	_ = 	snop  }
0x6: {  	_ = 	snop  }
0x7: {  	_ = 	snop  }
__scs_overlays_trampoline_lowered:
0x8: {  	[smem:$0x3F9D] =	sst s0  }
0x9: {  	[smem:$0x3F9E] =	sst s1  }
0xa: {  	[smem:$0x3F9F] =	sst s2  }
0xb: {  	[smem:$0x3FA0] =	sst s3  }
0xc: {  	[smem:$0x3FA1] =	sst s4  }
0xd: {  	[smem:$0x3FA2] =	sst s5  }
0xe: {  	[smem:$0x3FA3] =	sst s6  }
0xf: {  	[smem:$0x3FA4] =	sst s7  }
0x10: {  	[smem:$0x3FA5] =	sst s8  }
0x11: {  	[smem:$0x3FA6] =	sst s9;
	s0 =	simm.s32 @!p0 $0x0  }
0x12: {  	s1 =	sld [smem:$0x3F8C];
	s0 =	simm.s32 @p0 $0x1  }
0x13: {  	[smem:$0x3FA7] =	sst s0;
	s0 =	simm.s32 @!p1 $0x0  }
0x14: {  	s2 =	sld [smem:$0x3F8B];
	s0 =	simm.s32 @p1 $0x1  }
0x15: {  	[smem:$0x3FA8] =	sst s0;
	s0 =	simm.s32 @!p2 $0x0  }
0x16: {  	s3 =	sld [smem:$0x3FDB];
	s0 =	simm.s32 @p2 $0x1  }
0x17: {  	s4 =	simm.s32 $0x1BF5;
	[smem:$0x3FAA] =	sst s0  }
0x18: {  	s0 =	sld [smem:$0x3F8D];
	_ =	swait.ge [sflag:s4], $0x0  }
0x19: {  	s7 =	sld [smem:$0x3F8E]  }
0x1a: {  	s8 =	sadd.s32 $0xFFFFE003, lr  }
0x1b: {  	s9 =	sadd.s32 $0xFFFFFEF7, lr;
	s5 =	simm.s32 $0xFFFFFFFF;
	p2 =	slt.u32 s8, $0xFFFFF086  }
0x1c: {  	p1 =	slt.u32 s9, $0xF7A;
	s5 =	simm.s32 @!p2 $0x0  }
0x1d: {  	s5 =	simm.s32 @p1 $0x1;
	p0 =	seq.s32 s7, s2  }
0x1e: {  	s7 =	smul.u32 @!p0 $0xF7A, s2;
	p2 =	seq.s32 @!p0 s5, $0x0  }
0x1f: {  	s9 =	smul.u32 $0xF7A, s1;
	s8 =	simm.s32 @!p0 $0x1BF5;
	p2 =	por !p2, p0  }
0x20: {  	[sflag:s8] =	ssyncset.s32 @!p0 $0xFFFFF086;
	s6 =	sadd.s32 @!p0 s3, s7;
	s7 =	simm.s32 @!p0 $0x108  }
0x21: {  	s3 =	sadd.s32 s3, s9;
	s6 =	sadd.s32 @!p0 $0x88, s6;
	s7 =	simm.s32 @p2 $0x1082  }
0x22: {  	[simem:s7], [sflag:s8] =	dma.local @!p0 [hbm:s6], $0xF7A  }
0x23: {  	s9 =	sor.u32 $0xD0000000, s2;
	s6 =	simm.s32 $0x108;
	_ =	swait.ge @!p0 [sflag:s8], $0x0  }
0x24: {  	s3 =	sadd.s32 $0x88, s3;
	s6 =	simm.s32 @!p1 $0x1082;
	[sflag:s4] =	ssyncset.s32 $0xFFFFF086  }
0x25: {  	[simem:s6], [sflag:s4] =	dma.local [hbm:s3], $0xF7A  }
0x26: {  	[smem:$0x3F8E] =	sst s1;
	(tag) =	ssettag s2;
	_ =	strace s9  }
0x27: {  	s1 =	sld [smem:$0x3F9E]  }
0x28: {  	s2 =	sld [smem:$0x3F9F]  }
0x29: {  	s4 =	sld [smem:$0x3FA1]  }
0x2a: {  	p0 =	seq.s32 s5, $0x0;
	s5 =	sld [smem:$0x3FA2]  }
0x2b: {  	s6 =	sld [smem:$0x3FA3]  }
0x2c: {  	s7 =	sld [smem:$0x3FA4]  }
0x2d: {  	s3 =	simm.s32 $0x108;
	s8 =	sld [smem:$0x3FA5]  }
0x2e: {  	s3 =	simm.s32 @!p0 $0x1082;
	s9 =	sld [smem:$0x3FA6]  }
0x2f: {  	lr =	sadd.s32 s0, s3;
	s0 =	sld [smem:$0x3F9D]  }
0x30: {  	s3 =	sld [smem:$0x3FA0]  }
0x31: {  	[smem:$0x3FA9] =	sst s10  }
0x32: {  	s10 =	sld [smem:$0x3FA7];
	_ =	sdelay $0x3  }
0x33: {  	p0 =	seq.s32 s10, $0x1;
	s10 =	sld [smem:$0x3FA9];
	_ =	sdelay $0x3  }
0x34: {  	[smem:$0x3FA9] =	sst s10  }
0x35: {  	s10 =	sld [smem:$0x3FA8];
	_ =	sdelay $0x3  }
0x36: {  	p1 =	seq.s32 s10, $0x1;
	s10 =	sld [smem:$0x3FA9];
	_ =	sdelay $0x3  }
0x37: {  	[smem:$0x3FA9] =	sst s10  }
0x38: {  	s10 =	sld [smem:$0x3FAA]  }
0x39: {  	_ = 	snop;
	(pc) =	sbr.ind lr, $3  }
0x3a: {  	_ = 	snop  }
0x3b: {  	_ = 	snop  }
0x3c: {  	p2 =	seq.s32 s10, $0x1;
	s10 =	sld [smem:$0x3FA9]  }
0x3d: {  	_ =	shalt  }
0x3e: {  	_ =	shalt  }
0x3f: {  	_ =	shalt  }
0x40: {  	_ =	shalt  }
0x41: {  	_ =	shalt  }
0x42: {  	_ =	shalt  }
0x43: {  	_ =	shalt  }
0x44: {  	_ =	shalt  }
0x45: {  	_ =	shalt  }
0x46: {  	_ =	shalt  }
0x47: {  	_ =	shalt  }
0x48: {  	_ =	shalt  }
0x49: {  	_ =	shalt  }
0x4a: {  	_ =	shalt  }
0x4b: {  	_ =	shalt  }
0x4c: {  	_ =	shalt  }
0x4d: {  	_ =	shalt  }
0x4e: {  	_ =	shalt  }
0x4f: {  	_ =	shalt  }
0x50: {  	_ =	shalt  }
0x51: {  	_ =	shalt  }
0x52: {  	_ =	shalt  }
0x53: {  	_ =	shalt  }
0x54: {  	_ =	shalt  }
0x55: {  	_ =	shalt  }
0x56: {  	_ =	shalt  }
0x57: {  	_ =	shalt  }
0x58: {  	_ =	shalt  }
0x59: {  	_ =	shalt  }
0x5a: {  	_ =	shalt  }
0x5b: {  	_ =	shalt  }
0x5c: {  	_ =	shalt  }
0x5d: {  	_ =	shalt  }
0x5e: {  	_ =	shalt  }
0x5f: {  	_ =	shalt  }
0x60: {  	_ =	shalt  }
0x61: {  	_ =	shalt  }
0x62: {  	_ =	shalt  }
0x63: {  	_ =	shalt  }
0x64: {  	_ =	shalt  }
0x65: {  	_ =	shalt  }
0x66: {  	_ =	shalt  }
0x67: {  	_ =	shalt  }
0x68: {  	_ =	shalt  }
0x69: {  	_ =	shalt  }
0x6a: {  	_ =	shalt  }
0x6b: {  	_ =	shalt  }
0x6c: {  	_ =	shalt  }
0x6d: {  	_ =	shalt  }
0x6e: {  	_ =	shalt  }
0x6f: {  	_ =	shalt  }
0x70: {  	_ =	shalt  }
0x71: {  	_ =	shalt  }
0x72: {  	_ =	shalt  }
0x73: {  	_ =	shalt  }
0x74: {  	_ =	shalt  }
0x75: {  	_ =	shalt  }
0x76: {  	_ =	shalt  }
0x77: {  	_ =	shalt  }
0x78: {  	_ =	shalt  }
0x79: {  	_ =	shalt  }
0x7a: {  	_ =	shalt  }
0x7b: {  	_ =	shalt  }
0x7c: {  	_ =	shalt  }
0x7d: {  	_ =	shalt  }
0x7e: {  	_ =	shalt  }
0x7f: {  	_ =	shalt  }
0x80: {  	_ =	shalt  }
0x81: {  	_ =	shalt  }
0x82: {  	_ =	shalt  }
0x83: {  	_ =	shalt  }
0x84: {  	_ =	shalt  }
0x85: {  	_ =	shalt  }
0x86: {  	_ =	shalt  }
0x87: {  	_ =	shalt  }
.Lfunc_end0:
.L_simem_size_0:
called_computation_lowered:
.L_overlay_start_0:
0x88: {  	s2 =	sld [smem:$0x3FD9]  }
0x89: {  	s3 =	sld [smem:$0x3FFE];
	_ =	sdelay $0x1  }
0x8a: {  	s1 =	srdreg.scid  }
0x8b: {  	s0 =	sand.u32 $0x1, s1  }
0x8c: {  	s16 =	sshll.u32 s0, $0xA;
	s2 =	sadd.s32 s3, s2  }
0x8d: {  	s2 =	sadd.s32 s2, s16  }
0x8e: {  	[smem:$0x3FB5] =	sst s2  }
0x8f: {  	_ = 	snop  }
0x90: {  	(tm) =	ssettm $0x1  }
0x91: {  	s17 =	sld [smem:$0x3FFB];
	_ =	sdelay $0x3  }
0x92: {  	_ =	strace s17  }
0x93: {  	s2 =	sld [smem:$0x3FFC];
	_ =	sdelay $0x3  }
0x94: {  	_ =	strace s2  }
0x95: {  	s2 =	sld [smem:$0x3FFD];
	_ =	sdelay $0x3  }
0x96: {  	_ =	strace s2  }
0x97: {  	_ =	strace $0x8FFFFFFF  }
0x98: {  	s18 =	sld [smem:$0x3FDB];
	_ =	sdelay $0x1  }
0x99: {  	s19 =	simm.s32 $_scs_section_size  }
0x9a: {  	s4 =	simm.s32 $_size__tile_overlayer_lowered;
	s5 =	simm.s32 $_tile_overlayer_lowered  }
0x9b: {  	s22 =	simm.s32 $0x1BFF;
	s21 =	sshll.u32 s5, $0x1;
	s2 =	sadd.s32 s19, s18  }
0x9c: {  	s6 =	simm.s32 $0x0;
	s20 =	sshll.u32 s4, $0x1;
	s4 =	sadd.s32 s21, s2  }
0x9d: {  	[timem:s6], [sflag:s22] =	dma.local [hbm:s4], s20  }
0x9e: {  	_ =	swait.ge [sflag:s22], s20  }
0x9f: {  	s3 =	ssub.s32 $0x0, s20;
	[sflag:s22] =	ssyncset.done $0x0  }
0xa0: {  	[sflag:s22] =	ssyncadd.s32 s3;
	_ =	sdelay $0x1  }
0xa1: {  	s23 =	simm.s32 $0x1B8B  }
0xa2: {  	_ =	swait.ge [sflag:s23], $0x1  }
0xa3: {  	[sflag:s23] =	ssyncset.done $0x0  }
0xa4: {  	s25 =	simm.s32 $0x1B8E;
	s24 =	sld [smem:$0x3FFE];
	[sflag:s23] =	ssyncadd.s32 $0xFFFFFFFF  }
0xa5: {  	s26 =	simm.s32 $execute0_lowered;
	[smem:$0x3FD2] =	sst s25  }
0xa6: {  	s4 =	sshll.u32 s26, $0x1;
	_ =	strace $0x80000046;
	[dreg:$0x1] =	wrdreg $0xFFFFFFFF  }
0xa7: {  	s28 =	simm.s32 $_size_execute0_lowered;
	s2 =	sadd.s32 s2, s4;
	[dreg:$0x0] =	wrdreg $0x0  }
0xa8: {  	s4 =	sshll.u32 s28, $0x1;
	[dreg:$0x2] =	wrdreg s2  }
0xa9: {  	[dreg:$0x3] =	wrdreg s4  }
0xaa: {  	[dreg:$0x4] =	wrdreg $0xC0  }
0xab: {  	_ =	task [dreg:s6], $0x5FFFF  }
0xac: {  	[dreg:$0x1] =	wrdreg $0xFFFFFFFF  }
0xad: {  	[dreg:$0x0] =	wrdreg $0x60  }
0xae: {  	[dreg:$0x2] =	wrdreg s24  }
0xaf: {  	[dreg:$0x3] =	wrdreg $0x9  }
0xb0: {  	_ =	task.clear_ibuf [dreg:s6], $0x4FFFF;
	_ =	strace $0x90000046  }
0xb1: {  	s29 =	simm.s32 $0x9;
	_ =	strace $0x80000048  }
0xb2: {  	_ =	swait.ge [sflag:s29], $0x1  }
0xb3: {  	[sflag:s29] =	ssyncadd.s32 $0xFFFFFFFF  }
0xb4: {  	_ =	strace $0x90000048  }
0xb5: {  	_ =	sfence  }
0xb6: {  	s30 =	sld [smem:$0x0];
	_ =	sdelay $0x2  }
0xb7: {  	s31 =	sshll.u32 s1, $0xD;
	s1 =	sshrl.u32 s1, $0x2  }
0xb8: {  	s3 =	sand.u32 $0x4000, s31;
	s1 =	sadd.s32 s1, s30  }
0xb9: {  	s0 =	sor.u32 s3, s0;
	s1 =	sshll.u32 s1, $0x11  }
0xba: {  	s0 =	sor.u32 s1, s0  }
0xbb: {  	s0 =	sadd.s32 $0x8F2B, s0  }
0xbc: {  	[sflag:s0] =	ssyncadd.remote.s32 $0x1  }
0xbd: {  	_ =	sfence.sel $0xFFFF  }
0xbe: {  	[dreg:$0x0] =	wrdreg $0xFFFFFFFF;
	(pc) =	sbr.abs _section_cstart, $3  }
0xbf: {  	[dreg:$0x1] =	wrdreg $0xFFFFFFFF  }
0xc0: {  	_ =	task.clear_ibuf [dreg:s6], $0x2FFFF;
	_ =	strace $0x9FFFFFFF  }
0xc1: {  	(tm) =	ssettm $0x7FFFFFFF  }
tec
execute0_lowered:
.L_overlay_start_1:
0x0: {  	(tag) =	ssettag $0x1  }
0x1: {  	s0 =	srdreg.scid;
	s5 =	rddreg [dreg:$0x0]  }
0x2: {  	s1 =	stileid.u32;
	s6 =	simm.s32 $0x1;
	s9 =	simm.s32 $0x1  }
0x3: {  	s10 =	simm.s32 $0x3;
	s13 =	simm.s32 $0x0;
	s2 =	sshll.u32 s0, $0x9  }
0x4: {  	s12 =	simm.s32 $0x0;
	s3 =	sshll.u32 s1, $0xA;
	s2 =	sand.u32 $0x200, s2  }
0x5: {  	s0 =	rddreg [dreg:$0x1];
	_ =	strace $0x80000047;
	s2 =	sor.u32 s3, s2  }
0x6: {  	s4 =	sadd.s32 $0x2E00, s5;
	[sflag:s6] =	ssyncpa.u1 $0x0;
	s8 =	ssub.s32 $0x5000, s2  }
.Ltmp0:
0x7: {  	s3 =	sadd.s32 $0x3800, s5;
	s7 =	sand.u32 $0x3E00, s8;
	(pc) =	sbr.rel .LBB2_1-.Ltmp0, $4  }
0x8: {  	s5 =	sadd.s32 $0x4000, s5;
	s11 =	smov.u32 s2;
	p0 =	sne.s32 s7, $0x0  }
0x9: {  	s8 =	sshrl.u32 s8, $0xE;
	s7 =	simm.s32 $0x2;
	s9 =	simm.s32 @!p0 $0x0  }
0xa: {  	[sflag:s7] =	ssyncpa.u1 $0x0;
	p0 =	por $0x0, $0x0;
	s8 =	sadd.s32 s9, s8  }
0xb: {  	vm0 =	vmmov $0xffff;
	[sflag:s10] =	ssyncpa.u1 $0x0;
	s10 =	simm.s32 $0x0;
	s9 =	sadd.s32 $0x1, s8  }
.LBB2_4:
0xc: {  	v2 =	vnsel vm1, $0x0, v2  }
0xd: {  	vm1 =	vgt.s32 v0, $0x0;
	v2 =	vmin.u32 v2, $0x3FFF  }
0xe: {  	v0 =	vnsel vm1, $0x0, v0  }
0xf: {  	v0 =	vmin.u32 v0, $0x3FFF  }
0x10: {  	[tilespmem:s15], [sflag:$0x1] =	stream.indirect_vreg.gather [hbm4b:s3+s10], $0x1, v1, vm0, $0x4038;
	[tilespmem:$0x800] =	vst v63  }
0x11: {  	(ifvalue) =	ssetifvalue $0x7FFFFFFF  }
0x12: {  	[tilespmem:s16], [sflag:$0x1] =	stream.indirect_vreg.gather [hbm4b:s3+s10], $0x1, v2, vm0, $0x4038;
	[tilespmem:$0x800] =	vst v63  }
0x13: {  	s29 =	sadd.s32 $0x10, s16;
	(ifvalue) =	ssetifvalue $0x7FFFFFFF  }
0x14: {  	[tilespmem:s29], [sflag:$0x1] =	stream.indirect_vreg.gather [hbm4b:s3+s10], $0x1, v0, vm0, $0x4038;
	[tilespmem:$0x800] =	vst v63  }
0x15: {  	_ =	swait.ge [sflag:s6], $0x200  }
0x16: {  	s30 =	sshrl.u32 s13, $0x3;
	[sflag:s6] =	ssyncset.done $0x0  }
0x17: {  	s31 =	sand.u32 $0x7, s13;
	s15 =	sadd.s32 s5, s30;
	[sflag:s6] =	ssyncadd.s32 $0xFFFFFE00  }
0x18: {  	[hbm4b:s15+s31] =	stream.linear.scatter [tilespmem:s14], [sflag:$0x3], $0x200, $0x38;
	[tilespmem:$0x800] =	vst v63  }
.LBB2_5:
0x19: {  	s15 =	sadd.s32 $0x4000, s11  }
0x1a: {  	p2 =	sgt.s32 s15, $0x4FFF  }
0x1b: {  	s15 =	smov.u32 @p2 s2;
	p2 =	sne.s32 s12, s9  }
.Ltmp1:
0x1c: {  	p1 =	slt.u32 s12, $0x2;
	(pc) =	sbr.rel @!p2 .LBB2_6-.Ltmp1, $4  }
0x1d: {  	s14 =	simm.s32 @!p1 $0x3  }
0x1e: {  	s16 =	sadd.s32 $0x1, s12;
	_ =	swait.ge @!p1 [sflag:s14], $0x200  }
0x1f: {  	s13 =	smov.u32 s11;
	p0 =	por !p0, !p0;
	[sflag:s14] =	ssyncset.done @!p1 $0x0  }
0x20: {  	s12 =	smov.u32 s16;
	s11 =	smov.u32 s15;
	[sflag:s14] =	ssyncadd.s32 @!p1 $0xFFFFFE00  }
.LBB2_1:
0x21: {  	p1 =	sge.u32 s12, s8  }
0x22: {  	s14 =	sxor.u32 @!p1 $0xFFFFFFFF, s12  }
0x23: {  	s31 =	sadd.s32 $0xFFFFFFFF, s12;
	s15 =	sshrl.u32 @!p1 s11, $0x3;
	s14 =	sshll.u32 @!p1 s14, $0x9  }
0x24: {  	s16 =	sand.u32 @!p1 $0x7, s11;
	s15 =	sadd.s32 @!p1 s4, s15;
	s14 =	sand.u32 @!p1 $0x200, s14  }
0x25: {  	[tilespmem:s14], [sflag:$0x2] =	stream.linear.gather @!p1 [hbm4b:s15+s16], $0x200, $0x38;
	[tilespmem:$0x800] =	vst v63  }
0x26: {  	p1 =	sge.u32 s31, s8  }
.Ltmp2:
0x27: {  	_ = 	snop;
	(pc) =	sbr.rel @p1 .LBB2_5-.Ltmp2, $1  }
0x28: {  	_ =	sdelay $0x3  }
0x29: {  	s14 =	simm.s32 $0x1  }
0x2a: {  	_ =	swait.ge [sflag:s7], $0x200;
	s14 =	simm.s32 @!p0 $0x0  }
0x2b: {  	[sflag:s7] =	ssyncset.done $0x0;
	s14 =	sshll.u32 s14, $0x9  }
0x2c: {  	[sflag:s7] =	ssyncadd.s32 $0xFFFFFE00;
	(ifvalue) =	ssetifvalue $0x7FFFFFFF;
	v0 =	vld.msk [tilespmem:s14+$0x0 ss:$0x1], $0xffff;
	_ =	sdelay $0x4  }
0x2d: {  	s15 =	sadd.s32 $0x10, s14;
	vm1 =	vgt.s32 v0, $0x0  }
0x2e: {  	v2 =	vld.msk [tilespmem:s15+$0x0 ss:$0x1], $0xffff;
	v1 =	vnsel vm1, $0x0, v0  }
0x2f: {  	v1 =	vmin.u32 v1, $0x3FFF;
	_ =	sdelay $0x1  }
0x30: {  	s16 =	sshll.u32 s12, $0x9;
	s18 =	simm.s32 $0x20  }
0x31: {  	s16 =	sand.u32 $0x200, s16;
	s17 =	sadd.s32 $0x10, s15;
	s15 =	sor.u32 $0x400, s14  }
0x32: {  	s14 =	sor.u32 $0x400, s16;
	s16 =	sadd.s32 $0x10, s15;
	v0 =	vld.msk [tilespmem:s17+$0x0 ss:$0x1], $0xffff;
	vm1 =	vgt.s32 v2, $0x0;
	(ifvalue) =	ssetifvalue $0x7FFFFFFF  }
.LBB2_3:
0x33: {  	[tilespmem:s15], [sflag:$0x1] =	stream.indirect_vreg.gather [hbm4b:s3+s10], $0x1, v1, vm0, $0x4038;
	[tilespmem:$0x800] =	vst v63  }
0x34: {  	s18 =	sadd.s32 $0x10, s18  }
0x35: {  	v2 =	vnsel vm1, $0x0, v2;
	p1 =	slt.u32 s18, $0x1F0  }
.Ltmp3:
0x36: {  	s15 =	smov.u32 s16;
	v1 =	vmin.u32 v2, $0x3FFF;
	(pc) =	sbr.rel @p1 .LBB2_3-.Ltmp3, $3  }
0x37: {  	_ =	sdelay $0x1  }
0x38: {  	s17 =	sadd.s32 $0x10, s17  }
0x39: {  	vm1 =	vgt.s32 v0, $0x0;
	s16 =	sadd.s32 $0x10, s16;
	v2 =	vmov v0;
	(ifvalue) =	ssetifvalue $0x7FFFFFFF;
	v0 =	vld.msk [tilespmem:s17+$0x0 ss:$0x1], $0xffff  }
.Ltmp4:
0x3a: {  	_ = 	snop;
	(pc) =	sbr.rel .LBB2_4-.Ltmp4, $1  }
0x3b: {  	_ =	sdelay $0x3  }
.LBB2_6:
0x3c: {  	_ =	sfence.sel $0x180000  }
0x3d: {  	s2 =	simm.s32 $0x2;
	[bflag:$0x0] =	sbarrier.arrive $0xFFFF  }
0x3e: {  	s30 =	simm.s32 $0x3;
	[sflag:s2] =	ssyncpa.u1 $0x1  }
0x3f: {  	s31 =	simm.s32 $0x1;
	[sflag:s30] =	ssyncpa.u1 $0x1  }
0x40: {  	[sflag:s31] =	ssyncpa.u1 $0x1  }
0x41: {  	p0 =	sne.s32 s1, $0x0;
	_ =	strace $0x90000047  }
0x42: {  	s0 =	sadd.s32 @!p0 $0x100000, s0;
	[bflag:$0x2] =	sbarrier.arrive $0xFFFF  }
0x43: {  	[sflag:s0] =	ssyncadd.tile.s32 @!p0 $0x1;
	_ =	shalt  }
.Lfunc_end2:
_tile_overlayer_lowered:
.L_overlay_start_2:
0x44: {  	(tag) =	ssettag $0x2  }
0x45: {  	s0 =	rddreg [dreg:$0x0];
	s2 =	stileid.u32  }
0x46: {  	s1 =	rddreg [dreg:$0x1];
	p0 =	sne.s32 s2, $0x0  }
0x47: {  	s3 =	rddreg [dreg:$0x2];
	[bflag:$0x3] =	sbarrier.arrive $0xFFFF;
	s2 =	simm.s32 @!p0 $0x1C01  }
0x48: {  	[timem:s3], [sflag:s2] =	dma.local @!p0 [hbm:s0], s1  }
0x49: {  	s0 =	simm.s32 @!p0 $0x1  }
0x4a: {  	_ =	swait.ge @!p0 [sflag:s0], s1  }
0x4b: {  	s1 =	ssub.s32 @!p0 $0x0, s1;
	[sflag:s0] =	ssyncset.done @!p0 $0x0  }
0x4c: {  	[sflag:s0] =	ssyncadd.s32 @!p0 s1  }
0x4d: {  	[bflag:$0x3] =	sbarrier.arrive $0xFFFF  }
0x4e: {  	_ =	shalt  }

// kernel: kernel.11.cloned.1.call-start
scs
__scs_entry_jumppad:
0x0: {  	(pc) =	sbr.rel $0x88, $3  }
0x1: {  	(tag) =	ssettag $0x0;
	lr =	simm.s32 $0x1  }
0x2: {  	[smem:$0x3F8E] =	sst lr;
	_ =	strace $0xD0000000  }
0x3: {  	_ = 	snop  }
0x4: {  	_ = 	snop  }
0x5: {  	_ = 	snop  }
0x6: {  	_ = 	snop  }
0x7: {  	_ = 	snop  }
__scs_overlays_trampoline_lowered:
0x8: {  	[smem:$0x3F9D] =	sst s0  }
0x9: {  	[smem:$0x3F9E] =	sst s1  }
0xa: {  	[smem:$0x3F9F] =	sst s2  }
0xb: {  	[smem:$0x3FA0] =	sst s3  }
0xc: {  	[smem:$0x3FA1] =	sst s4  }
0xd: {  	[smem:$0x3FA2] =	sst s5  }
0xe: {  	[smem:$0x3FA3] =	sst s6  }
0xf: {  	[smem:$0x3FA4] =	sst s7  }
0x10: {  	[smem:$0x3FA5] =	sst s8  }
0x11: {  	[smem:$0x3FA6] =	sst s9;
	s0 =	simm.s32 @!p0 $0x0  }
0x12: {  	s1 =	sld [smem:$0x3F8C];
	s0 =	simm.s32 @p0 $0x1  }
0x13: {  	[smem:$0x3FA7] =	sst s0;
	s0 =	simm.s32 @!p1 $0x0  }
0x14: {  	s2 =	sld [smem:$0x3F8B];
	s0 =	simm.s32 @p1 $0x1  }
0x15: {  	[smem:$0x3FA8] =	sst s0;
	s0 =	simm.s32 @!p2 $0x0  }
0x16: {  	s3 =	sld [smem:$0x3FDB];
	s0 =	simm.s32 @p2 $0x1  }
0x17: {  	s4 =	simm.s32 $0x1BF5;
	[smem:$0x3FAA] =	sst s0  }
0x18: {  	s0 =	sld [smem:$0x3F8D];
	_ =	swait.ge [sflag:s4], $0x0  }
0x19: {  	s7 =	sld [smem:$0x3F8E]  }
0x1a: {  	s8 =	sadd.s32 $0xFFFFE003, lr  }
0x1b: {  	s9 =	sadd.s32 $0xFFFFFEF7, lr;
	s5 =	simm.s32 $0xFFFFFFFF;
	p2 =	slt.u32 s8, $0xFFFFF086  }
0x1c: {  	p1 =	slt.u32 s9, $0xF7A;
	s5 =	simm.s32 @!p2 $0x0  }
0x1d: {  	s5 =	simm.s32 @p1 $0x1;
	p0 =	seq.s32 s7, s2  }
0x1e: {  	s7 =	smul.u32 @!p0 $0xF7A, s2;
	p2 =	seq.s32 @!p0 s5, $0x0  }
0x1f: {  	s9 =	smul.u32 $0xF7A, s1;
	s8 =	simm.s32 @!p0 $0x1BF5;
	p2 =	por !p2, p0  }
0x20: {  	[sflag:s8] =	ssyncset.s32 @!p0 $0xFFFFF086;
	s6 =	sadd.s32 @!p0 s3, s7;
	s7 =	simm.s32 @!p0 $0x108  }
0x21: {  	s3 =	sadd.s32 s3, s9;
	s6 =	sadd.s32 @!p0 $0x88, s6;
	s7 =	simm.s32 @p2 $0x1082  }
0x22: {  	[simem:s7], [sflag:s8] =	dma.local @!p0 [hbm:s6], $0xF7A  }
0x23: {  	s9 =	sor.u32 $0xD0000000, s2;
	s6 =	simm.s32 $0x108;
	_ =	swait.ge @!p0 [sflag:s8], $0x0  }
0x24: {  	s3 =	sadd.s32 $0x88, s3;
	s6 =	simm.s32 @!p1 $0x1082;
	[sflag:s4] =	ssyncset.s32 $0xFFFFF086  }
0x25: {  	[simem:s6], [sflag:s4] =	dma.local [hbm:s3], $0xF7A  }
0x26: {  	[smem:$0x3F8E] =	sst s1;
	(tag) =	ssettag s2;
	_ =	strace s9  }
0x27: {  	s1 =	sld [smem:$0x3F9E]  }
0x28: {  	s2 =	sld [smem:$0x3F9F]  }
0x29: {  	s4 =	sld [smem:$0x3FA1]  }
0x2a: {  	p0 =	seq.s32 s5, $0x0;
	s5 =	sld [smem:$0x3FA2]  }
0x2b: {  	s6 =	sld [smem:$0x3FA3]  }
0x2c: {  	s7 =	sld [smem:$0x3FA4]  }
0x2d: {  	s3 =	simm.s32 $0x108;
	s8 =	sld [smem:$0x3FA5]  }
0x2e: {  	s3 =	simm.s32 @!p0 $0x1082;
	s9 =	sld [smem:$0x3FA6]  }
0x2f: {  	lr =	sadd.s32 s0, s3;
	s0 =	sld [smem:$0x3F9D]  }
0x30: {  	s3 =	sld [smem:$0x3FA0]  }
0x31: {  	[smem:$0x3FA9] =	sst s10  }
0x32: {  	s10 =	sld [smem:$0x3FA7];
	_ =	sdelay $0x3  }
0x33: {  	p0 =	seq.s32 s10, $0x1;
	s10 =	sld [smem:$0x3FA9];
	_ =	sdelay $0x3  }
0x34: {  	[smem:$0x3FA9] =	sst s10  }
0x35: {  	s10 =	sld [smem:$0x3FA8];
	_ =	sdelay $0x3  }
0x36: {  	p1 =	seq.s32 s10, $0x1;
	s10 =	sld [smem:$0x3FA9];
	_ =	sdelay $0x3  }
0x37: {  	[smem:$0x3FA9] =	sst s10  }
0x38: {  	s10 =	sld [smem:$0x3FAA]  }
0x39: {  	_ = 	snop;
	(pc) =	sbr.ind lr, $3  }
0x3a: {  	_ = 	snop  }
0x3b: {  	_ = 	snop  }
0x3c: {  	p2 =	seq.s32 s10, $0x1;
	s10 =	sld [smem:$0x3FA9]  }
0x3d: {  	_ =	shalt  }
0x3e: {  	_ =	shalt  }
0x3f: {  	_ =	shalt  }
0x40: {  	_ =	shalt  }
0x41: {  	_ =	shalt  }
0x42: {  	_ =	shalt  }
0x43: {  	_ =	shalt  }
0x44: {  	_ =	shalt  }
0x45: {  	_ =	shalt  }
0x46: {  	_ =	shalt  }
0x47: {  	_ =	shalt  }
0x48: {  	_ =	shalt  }
0x49: {  	_ =	shalt  }
0x4a: {  	_ =	shalt  }
0x4b: {  	_ =	shalt  }
0x4c: {  	_ =	shalt  }
0x4d: {  	_ =	shalt  }
0x4e: {  	_ =	shalt  }
0x4f: {  	_ =	shalt  }
0x50: {  	_ =	shalt  }
0x51: {  	_ =	shalt  }
0x52: {  	_ =	shalt  }
0x53: {  	_ =	shalt  }
0x54: {  	_ =	shalt  }
0x55: {  	_ =	shalt  }
0x56: {  	_ =	shalt  }
0x57: {  	_ =	shalt  }
0x58: {  	_ =	shalt  }
0x59: {  	_ =	shalt  }
0x5a: {  	_ =	shalt  }
0x5b: {  	_ =	shalt  }
0x5c: {  	_ =	shalt  }
0x5d: {  	_ =	shalt  }
0x5e: {  	_ =	shalt  }
0x5f: {  	_ =	shalt  }
0x60: {  	_ =	shalt  }
0x61: {  	_ =	shalt  }
0x62: {  	_ =	shalt  }
0x63: {  	_ =	shalt  }
0x64: {  	_ =	shalt  }
0x65: {  	_ =	shalt  }
0x66: {  	_ =	shalt  }
0x67: {  	_ =	shalt  }
0x68: {  	_ =	shalt  }
0x69: {  	_ =	shalt  }
0x6a: {  	_ =	shalt  }
0x6b: {  	_ =	shalt  }
0x6c: {  	_ =	shalt  }
0x6d: {  	_ =	shalt  }
0x6e: {  	_ =	shalt  }
0x6f: {  	_ =	shalt  }
0x70: {  	_ =	shalt  }
0x71: {  	_ =	shalt  }
0x72: {  	_ =	shalt  }
0x73: {  	_ =	shalt  }
0x74: {  	_ =	shalt  }
0x75: {  	_ =	shalt  }
0x76: {  	_ =	shalt  }
0x77: {  	_ =	shalt  }
0x78: {  	_ =	shalt  }
0x79: {  	_ =	shalt  }
0x7a: {  	_ =	shalt  }
0x7b: {  	_ =	shalt  }
0x7c: {  	_ =	shalt  }
0x7d: {  	_ =	shalt  }
0x7e: {  	_ =	shalt  }
0x7f: {  	_ =	shalt  }
0x80: {  	_ =	shalt  }
0x81: {  	_ =	shalt  }
0x82: {  	_ =	shalt  }
0x83: {  	_ =	shalt  }
0x84: {  	_ =	shalt  }
0x85: {  	_ =	shalt  }
0x86: {  	_ =	shalt  }
0x87: {  	_ =	shalt  }
.Lfunc_end0:
.L_simem_size_0:
called_computation.2_lowered:
.L_overlay_start_0:
0x88: {  	s2 =	sld [smem:$0x3FD9]  }
0x89: {  	s3 =	sld [smem:$0x3FFE];
	_ =	sdelay $0x1  }
0x8a: {  	s1 =	srdreg.scid  }
0x8b: {  	s0 =	sand.u32 $0x1, s1  }
0x8c: {  	s16 =	sshll.u32 s0, $0xA;
	s2 =	sadd.s32 s3, s2  }
0x8d: {  	s2 =	sadd.s32 s2, s16  }
0x8e: {  	[smem:$0x3FB5] =	sst s2  }
0x8f: {  	_ = 	snop  }
0x90: {  	(tm) =	ssettm $0x1  }
0x91: {  	s17 =	sld [smem:$0x3FFB];
	_ =	sdelay $0x3  }
0x92: {  	_ =	strace s17  }
0x93: {  	s2 =	sld [smem:$0x3FFC];
	_ =	sdelay $0x3  }
0x94: {  	_ =	strace s2  }
0x95: {  	s2 =	sld [smem:$0x3FFD];
	_ =	sdelay $0x3  }
0x96: {  	_ =	strace s2  }
0x97: {  	_ =	strace $0x8FFFFFFF  }
0x98: {  	s18 =	sld [smem:$0x3FDB];
	_ =	sdelay $0x1  }
0x99: {  	s19 =	simm.s32 $_scs_section_size  }
0x9a: {  	s4 =	simm.s32 $_size__tile_overlayer_lowered;
	s5 =	simm.s32 $_tile_overlayer_lowered  }
0x9b: {  	s22 =	simm.s32 $0x1BFF;
	s21 =	sshll.u32 s5, $0x1;
	s2 =	sadd.s32 s19, s18  }
0x9c: {  	s6 =	simm.s32 $0x0;
	s20 =	sshll.u32 s4, $0x1;
	s4 =	sadd.s32 s21, s2  }
0x9d: {  	[timem:s6], [sflag:s22] =	dma.local [hbm:s4], s20  }
0x9e: {  	_ =	swait.ge [sflag:s22], s20  }
0x9f: {  	s3 =	ssub.s32 $0x0, s20;
	[sflag:s22] =	ssyncset.done $0x0  }
0xa0: {  	[sflag:s22] =	ssyncadd.s32 s3;
	_ =	sdelay $0x1  }
0xa1: {  	s23 =	simm.s32 $0x1B8B  }
0xa2: {  	_ =	swait.ge [sflag:s23], $0x1  }
0xa3: {  	[sflag:s23] =	ssyncset.done $0x0  }
0xa4: {  	s25 =	simm.s32 $0x1B8E;
	s24 =	sld [smem:$0x3FFE];
	[sflag:s23] =	ssyncadd.s32 $0xFFFFFFFF  }
0xa5: {  	s26 =	simm.s32 $execute0_lowered;
	[smem:$0x3FD2] =	sst s25  }
0xa6: {  	s4 =	sshll.u32 s26, $0x1;
	_ =	strace $0x8000004C;
	[dreg:$0x1] =	wrdreg $0xFFFFFFFF  }
0xa7: {  	s28 =	simm.s32 $_size_execute0_lowered;
	s2 =	sadd.s32 s2, s4;
	[dreg:$0x0] =	wrdreg $0x0  }
0xa8: {  	s4 =	sshll.u32 s28, $0x1;
	[dreg:$0x2] =	wrdreg s2  }
0xa9: {  	[dreg:$0x3] =	wrdreg s4  }
0xaa: {  	[dreg:$0x4] =	wrdreg $0xC0  }
0xab: {  	_ =	task [dreg:s6], $0x5FFFF  }
0xac: {  	[dreg:$0x1] =	wrdreg $0xFFFFFFFF  }
0xad: {  	[dreg:$0x0] =	wrdreg $0x60  }
0xae: {  	[dreg:$0x2] =	wrdreg s24  }
0xaf: {  	[dreg:$0x3] =	wrdreg $0x9  }
0xb0: {  	_ =	task.clear_ibuf [dreg:s6], $0x4FFFF;
	_ =	strace $0x9000004C  }
0xb1: {  	s29 =	simm.s32 $0x9;
	_ =	strace $0x8000004E  }
0xb2: {  	_ =	swait.ge [sflag:s29], $0x1  }
0xb3: {  	[sflag:s29] =	ssyncadd.s32 $0xFFFFFFFF  }
0xb4: {  	_ =	strace $0x9000004E  }
0xb5: {  	_ =	sfence  }
0xb6: {  	s30 =	sld [smem:$0x0];
	_ =	sdelay $0x2  }
0xb7: {  	s31 =	sshll.u32 s1, $0xD;
	s1 =	sshrl.u32 s1, $0x2  }
0xb8: {  	s3 =	sand.u32 $0x4000, s31;
	s1 =	sadd.s32 s1, s30  }
0xb9: {  	s0 =	sor.u32 s3, s0;
	s1 =	sshll.u32 s1, $0x11  }
0xba: {  	s0 =	sor.u32 s1, s0  }
0xbb: {  	s0 =	sadd.s32 $0x8F2B, s0  }
0xbc: {  	[sflag:s0] =	ssyncadd.remote.s32 $0x1  }
0xbd: {  	_ =	sfence.sel $0xFFFF  }
0xbe: {  	[dreg:$0x0] =	wrdreg $0xFFFFFFFF;
	(pc) =	sbr.abs _section_cstart, $3  }
0xbf: {  	[dreg:$0x1] =	wrdreg $0xFFFFFFFF  }
0xc0: {  	_ =	task.clear_ibuf [dreg:s6], $0x2FFFF;
	_ =	strace $0x9FFFFFFF  }
0xc1: {  	(tm) =	ssettm $0x7FFFFFFF  }
tec
execute0_lowered:
.L_overlay_start_1:
0x0: {  	(tag) =	ssettag $0x1  }
0x1: {  	s1 =	srdreg.scid  }
0x2: {  	s0 =	stileid.u32;
	s9 =	rddreg [dreg:$0x0]  }
0x3: {  	s2 =	simm.s32 $0x0;
	s6 =	sand.u32 $0x1, s1;
	s30 =	sshll.u32 s0, $0x1  }
0x4: {  	s8 =	simm.s32 $0x1;
	s1 =	rddreg [dreg:$0x1];
	s7 =	sor.u32 s6, s30  }
0x5: {  	[smem:$0x7FF] =	sst s2;
	s5 =	sadd.s32 $0x2E00, s9;
	s3 =	sshll.u32 s7, $0x4  }
0x6: {  	_ =	strace $0x8000004D;
	s11 =	ssub.s32 $0x2, s6;
	s3 =	sadd.s32 s3, s9  }
0x7: {  	s6 =	simm.s32 $0x50;
	s4 =	sadd.s32 $0x53E00, s3;
	s3 =	simm.s32 $0x2  }
0x8: {  	[tilespmem:s2], [sflag:$0x2] =	stream.linear.gather [hbm4b:s4+s2], $0x80, $0x38;
	[tilespmem:$0x2880] =	vst v63  }
0x9: {  	s10 =	smul.u32 $0x500, s7;
	s12 =	sshrl.u32 s11, $0x1;
	_ =	swait.ge [sflag:s3], $0x80  }
0xa: {  	s7 =	simm.s32 $0x80;
	s31 =	ssub.s32 s11, s12;
	[sflag:s3] =	ssyncset.done $0x0  }
0xb: {  	s9 =	sadd.s32 s10, s9;
	s10 =	smax.u32 s31, $0x1;
	[sflag:s3] =	ssyncadd.s32 $0xFFFFFF80  }
0xc: {  	[tilespmem:s7], [sflag:$0x1] =	stream.indirect.gather [hbm4b:s5+s6], $0x80, s2, s6, $0xb8;
	[tilespmem:$0x2880] =	vst v63  }
0xd: {  	p0 =	sne.s32 s10, $0x1;
	_ =	swait.ge [sflag:s8], $0x2800  }
.Ltmp0:
0xe: {  	[sflag:s8] =	ssyncset.done $0x0;
	(pc) =	sbr.rel @!p0 .LBB2_2-.Ltmp0, $4  }
0xf: {  	s9 =	sadd.s32 $0xAE00, s9;
	[sflag:s8] =	ssyncadd.s32 $0xFFFFD800  }
0x10: {  	[hbm4b:s9+s2] =	stream.linear.scatter [tilespmem:s7], [sflag:$0x2], $0x2800, $0x38;
	[tilespmem:$0x2880] =	vst v63  }
0x11: {  	_ =	swait.ge [sflag:s3], $0x2800  }
0x12: {  	s10 =	sadd.s32 $0xFFFFFFFF, s10;
	[sflag:s3] =	ssyncset.done $0x0  }
.LBB2_1:
0x13: {  	p0 =	sne.s32 s10, $0x1;
	s10 =	sadd.s32 $0xFFFFFFFF, s10;
	[sflag:s3] =	ssyncadd.s32 $0xFFFFD800  }
0x14: {  	[tilespmem:s2], [sflag:$0x2] =	stream.linear.gather [hbm4b:s4+s2], $0x80, $0x38;
	[tilespmem:$0x2880] =	vst v63  }
0x15: {  	_ =	swait.ge [sflag:s3], $0x80  }
0x16: {  	[sflag:s3] =	ssyncset.done $0x0  }
0x17: {  	[sflag:s3] =	ssyncadd.s32 $0xFFFFFF80  }
0x18: {  	[tilespmem:s7], [sflag:$0x1] =	stream.indirect.gather [hbm4b:s5+s6], $0x80, s2, s6, $0xb8;
	[tilespmem:$0x2880] =	vst v63  }
0x19: {  	_ =	swait.ge [sflag:s8], $0x2800  }
.Ltmp1:
0x1a: {  	[sflag:s8] =	ssyncset.done $0x0;
	(pc) =	sbr.rel @p0 .LBB2_1-.Ltmp1, $4  }
0x1b: {  	[sflag:s8] =	ssyncadd.s32 $0xFFFFD800  }
0x1c: {  	[hbm4b:s9+s2] =	stream.linear.scatter [tilespmem:s7], [sflag:$0x2], $0x2800, $0x38;
	[tilespmem:$0x2880] =	vst v63  }
0x1d: {  	_ =	swait.ge [sflag:s3], $0x2800  }
0x1e: {  	[sflag:s3] =	ssyncset.done $0x0  }
.LBB2_2:
0x1f: {  	[sflag:s3] =	ssyncadd.s32 $0xFFFFD800  }
0x20: {  	_ =	sfence.sel $0x180000  }
0x21: {  	[bflag:$0x0] =	sbarrier.arrive $0xFFFF  }
0x22: {  	p0 =	sne.s32 s0, $0x0;
	_ =	strace $0x9000004D  }
0x23: {  	s0 =	sadd.s32 @!p0 $0x100000, s1;
	[bflag:$0x2] =	sbarrier.arrive $0xFFFF  }
0x24: {  	[sflag:s0] =	ssyncadd.tile.s32 @!p0 $0x1;
	_ =	shalt  }
.Lfunc_end2:
_tile_overlayer_lowered:
.L_overlay_start_2:
0x25: {  	(tag) =	ssettag $0x2  }
0x26: {  	s0 =	rddreg [dreg:$0x0];
	s2 =	stileid.u32  }
0x27: {  	s1 =	rddreg [dreg:$0x1];
	p0 =	sne.s32 s2, $0x0  }
0x28: {  	s3 =	rddreg [dreg:$0x2];
	[bflag:$0x3] =	sbarrier.arrive $0xFFFF;
	s2 =	simm.s32 @!p0 $0x1C02  }
0x29: {  	[timem:s3], [sflag:s2] =	dma.local @!p0 [hbm:s0], s1  }
0x2a: {  	s0 =	simm.s32 @!p0 $0x2  }
0x2b: {  	_ =	swait.ge @!p0 [sflag:s0], s1  }
0x2c: {  	s1 =	ssub.s32 @!p0 $0x0, s1;
	[sflag:s0] =	ssyncset.done @!p0 $0x0  }
0x2d: {  	[sflag:s0] =	ssyncadd.s32 @!p0 s1  }
0x2e: {  	[bflag:$0x3] =	sbarrier.arrive $0xFFFF  }
0x2f: {  	_ =	shalt  }

// kernel: kernel.14.cloned.1.call-start
scs
__scs_entry_jumppad:
0x0: {  	(pc) =	sbr.rel $0x88, $3  }
0x1: {  	(tag) =	ssettag $0x0;
	lr =	simm.s32 $0x1  }
0x2: {  	[smem:$0x3F8E] =	sst lr;
	_ =	strace $0xD0000000  }
0x3: {  	_ = 	snop  }
0x4: {  	_ = 	snop  }
0x5: {  	_ = 	snop  }
0x6: {  	_ = 	snop  }
0x7: {  	_ = 	snop  }
__scs_overlays_trampoline_lowered:
0x8: {  	[smem:$0x3F9D] =	sst s0  }
0x9: {  	[smem:$0x3F9E] =	sst s1  }
0xa: {  	[smem:$0x3F9F] =	sst s2  }
0xb: {  	[smem:$0x3FA0] =	sst s3  }
0xc: {  	[smem:$0x3FA1] =	sst s4  }
0xd: {  	[smem:$0x3FA2] =	sst s5  }
0xe: {  	[smem:$0x3FA3] =	sst s6  }
0xf: {  	[smem:$0x3FA4] =	sst s7  }
0x10: {  	[smem:$0x3FA5] =	sst s8  }
0x11: {  	[smem:$0x3FA6] =	sst s9;
	s0 =	simm.s32 @!p0 $0x0  }
0x12: {  	s1 =	sld [smem:$0x3F8C];
	s0 =	simm.s32 @p0 $0x1  }
0x13: {  	[smem:$0x3FA7] =	sst s0;
	s0 =	simm.s32 @!p1 $0x0  }
0x14: {  	s2 =	sld [smem:$0x3F8B];
	s0 =	simm.s32 @p1 $0x1  }
0x15: {  	[smem:$0x3FA8] =	sst s0;
	s0 =	simm.s32 @!p2 $0x0  }
0x16: {  	s3 =	sld [smem:$0x3FDB];
	s0 =	simm.s32 @p2 $0x1  }
0x17: {  	s4 =	simm.s32 $0x1BF5;
	[smem:$0x3FAA] =	sst s0  }
0x18: {  	s0 =	sld [smem:$0x3F8D];
	_ =	swait.ge [sflag:s4], $0x0  }
0x19: {  	s7 =	sld [smem:$0x3F8E]  }
0x1a: {  	s8 =	sadd.s32 $0xFFFFE003, lr  }
0x1b: {  	s9 =	sadd.s32 $0xFFFFFEF7, lr;
	s5 =	simm.s32 $0xFFFFFFFF;
	p2 =	slt.u32 s8, $0xFFFFF086  }
0x1c: {  	p1 =	slt.u32 s9, $0xF7A;
	s5 =	simm.s32 @!p2 $0x0  }
0x1d: {  	s5 =	simm.s32 @p1 $0x1;
	p0 =	seq.s32 s7, s2  }
0x1e: {  	s7 =	smul.u32 @!p0 $0xF7A, s2;
	p2 =	seq.s32 @!p0 s5, $0x0  }
0x1f: {  	s9 =	smul.u32 $0xF7A, s1;
	s8 =	simm.s32 @!p0 $0x1BF5;
	p2 =	por !p2, p0  }
0x20: {  	[sflag:s8] =	ssyncset.s32 @!p0 $0xFFFFF086;
	s6 =	sadd.s32 @!p0 s3, s7;
	s7 =	simm.s32 @!p0 $0x108  }
0x21: {  	s3 =	sadd.s32 s3, s9;
	s6 =	sadd.s32 @!p0 $0x88, s6;
	s7 =	simm.s32 @p2 $0x1082  }
0x22: {  	[simem:s7], [sflag:s8] =	dma.local @!p0 [hbm:s6], $0xF7A  }
0x23: {  	s9 =	sor.u32 $0xD0000000, s2;
	s6 =	simm.s32 $0x108;
	_ =	swait.ge @!p0 [sflag:s8], $0x0  }
0x24: {  	s3 =	sadd.s32 $0x88, s3;
	s6 =	simm.s32 @!p1 $0x1082;
	[sflag:s4] =	ssyncset.s32 $0xFFFFF086  }
0x25: {  	[simem:s6], [sflag:s4] =	dma.local [hbm:s3], $0xF7A  }
0x26: {  	[smem:$0x3F8E] =	sst s1;
	(tag) =	ssettag s2;
	_ =	strace s9  }
0x27: {  	s1 =	sld [smem:$0x3F9E]  }
0x28: {  	s2 =	sld [smem:$0x3F9F]  }
0x29: {  	s4 =	sld [smem:$0x3FA1]  }
0x2a: {  	p0 =	seq.s32 s5, $0x0;
	s5 =	sld [smem:$0x3FA2]  }
0x2b: {  	s6 =	sld [smem:$0x3FA3]  }
0x2c: {  	s7 =	sld [smem:$0x3FA4]  }
0x2d: {  	s3 =	simm.s32 $0x108;
	s8 =	sld [smem:$0x3FA5]  }
0x2e: {  	s3 =	simm.s32 @!p0 $0x1082;
	s9 =	sld [smem:$0x3FA6]  }
0x2f: {  	lr =	sadd.s32 s0, s3;
	s0 =	sld [smem:$0x3F9D]  }
0x30: {  	s3 =	sld [smem:$0x3FA0]  }
0x31: {  	[smem:$0x3FA9] =	sst s10  }
0x32: {  	s10 =	sld [smem:$0x3FA7];
	_ =	sdelay $0x3  }
0x33: {  	p0 =	seq.s32 s10, $0x1;
	s10 =	sld [smem:$0x3FA9];
	_ =	sdelay $0x3  }
0x34: {  	[smem:$0x3FA9] =	sst s10  }
0x35: {  	s10 =	sld [smem:$0x3FA8];
	_ =	sdelay $0x3  }
0x36: {  	p1 =	seq.s32 s10, $0x1;
	s10 =	sld [smem:$0x3FA9];
	_ =	sdelay $0x3  }
0x37: {  	[smem:$0x3FA9] =	sst s10  }
0x38: {  	s10 =	sld [smem:$0x3FAA]  }
0x39: {  	_ = 	snop;
	(pc) =	sbr.ind lr, $3  }
0x3a: {  	_ = 	snop  }
0x3b: {  	_ = 	snop  }
0x3c: {  	p2 =	seq.s32 s10, $0x1;
	s10 =	sld [smem:$0x3FA9]  }
0x3d: {  	_ =	shalt  }
0x3e: {  	_ =	shalt  }
0x3f: {  	_ =	shalt  }
0x40: {  	_ =	shalt  }
0x41: {  	_ =	shalt  }
0x42: {  	_ =	shalt  }
0x43: {  	_ =	shalt  }
0x44: {  	_ =	shalt  }
0x45: {  	_ =	shalt  }
0x46: {  	_ =	shalt  }
0x47: {  	_ =	shalt  }
0x48: {  	_ =	shalt  }
0x49: {  	_ =	shalt  }
0x4a: {  	_ =	shalt  }
0x4b: {  	_ =	shalt  }
0x4c: {  	_ =	shalt  }
0x4d: {  	_ =	shalt  }
0x4e: {  	_ =	shalt  }
0x4f: {  	_ =	shalt  }
0x50: {  	_ =	shalt  }
0x51: {  	_ =	shalt  }
0x52: {  	_ =	shalt  }
0x53: {  	_ =	shalt  }
0x54: {  	_ =	shalt  }
0x55: {  	_ =	shalt  }
0x56: {  	_ =	shalt  }
0x57: {  	_ =	shalt  }
0x58: {  	_ =	shalt  }
0x59: {  	_ =	shalt  }
0x5a: {  	_ =	shalt  }
0x5b: {  	_ =	shalt  }
0x5c: {  	_ =	shalt  }
0x5d: {  	_ =	shalt  }
0x5e: {  	_ =	shalt  }
0x5f: {  	_ =	shalt  }
0x60: {  	_ =	shalt  }
0x61: {  	_ =	shalt  }
0x62: {  	_ =	shalt  }
0x63: {  	_ =	shalt  }
0x64: {  	_ =	shalt  }
0x65: {  	_ =	shalt  }
0x66: {  	_ =	shalt  }
0x67: {  	_ =	shalt  }
0x68: {  	_ =	shalt  }
0x69: {  	_ =	shalt  }
0x6a: {  	_ =	shalt  }
0x6b: {  	_ =	shalt  }
0x6c: {  	_ =	shalt  }
0x6d: {  	_ =	shalt  }
0x6e: {  	_ =	shalt  }
0x6f: {  	_ =	shalt  }
0x70: {  	_ =	shalt  }
0x71: {  	_ =	shalt  }
0x72: {  	_ =	shalt  }
0x73: {  	_ =	shalt  }
0x74: {  	_ =	shalt  }
0x75: {  	_ =	shalt  }
0x76: {  	_ =	shalt  }
0x77: {  	_ =	shalt  }
0x78: {  	_ =	shalt  }
0x79: {  	_ =	shalt  }
0x7a: {  	_ =	shalt  }
0x7b: {  	_ =	shalt  }
0x7c: {  	_ =	shalt  }
0x7d: {  	_ =	shalt  }
0x7e: {  	_ =	shalt  }
0x7f: {  	_ =	shalt  }
0x80: {  	_ =	shalt  }
0x81: {  	_ =	shalt  }
0x82: {  	_ =	shalt  }
0x83: {  	_ =	shalt  }
0x84: {  	_ =	shalt  }
0x85: {  	_ =	shalt  }
0x86: {  	_ =	shalt  }
0x87: {  	_ =	shalt  }
.Lfunc_end0:
.L_simem_size_0:
called_computation.3_lowered:
.L_overlay_start_0:
0x88: {  	s2 =	sld [smem:$0x3FD9]  }
0x89: {  	s3 =	sld [smem:$0x3FFE];
	_ =	sdelay $0x1  }
0x8a: {  	s1 =	srdreg.scid  }
0x8b: {  	s0 =	sand.u32 $0x1, s1  }
0x8c: {  	s17 =	sshll.u32 s0, $0xA;
	s2 =	sadd.s32 s3, s2  }
0x8d: {  	s2 =	sadd.s32 s2, s17  }
0x8e: {  	[smem:$0x3FB5] =	sst s2  }
0x8f: {  	_ = 	snop  }
0x90: {  	(tm) =	ssettm $0x1  }
0x91: {  	s18 =	sld [smem:$0x3FFB];
	_ =	sdelay $0x3  }
0x92: {  	_ =	strace s18  }
0x93: {  	s2 =	sld [smem:$0x3FFC];
	_ =	sdelay $0x3  }
0x94: {  	_ =	strace s2  }
0x95: {  	s2 =	sld [smem:$0x3FFD];
	_ =	sdelay $0x3  }
0x96: {  	_ =	strace s2  }
0x97: {  	_ =	strace $0x8FFFFFFF  }
0x98: {  	s19 =	sld [smem:$0x3FDB];
	_ =	sdelay $0x1  }
0x99: {  	s20 =	simm.s32 $_scs_section_size  }
0x9a: {  	s4 =	simm.s32 $_size__tile_overlayer_lowered;
	s5 =	simm.s32 $_tile_overlayer_lowered  }
0x9b: {  	s6 =	simm.s32 $0x1BFF;
	s21 =	sshll.u32 s5, $0x1;
	s3 =	sadd.s32 s20, s19  }
0x9c: {  	s22 =	simm.s32 $0x0;
	s4 =	sshll.u32 s4, $0x1;
	s5 =	sadd.s32 s21, s3  }
0x9d: {  	[timem:s22], [sflag:s6] =	dma.local [hbm:s5], s4  }
0x9e: {  	_ =	swait.ge [sflag:s6], s4  }
0x9f: {  	s4 =	ssub.s32 $0x0, s4;
	[sflag:s6] =	ssyncset.done $0x0  }
0xa0: {  	[sflag:s6] =	ssyncadd.s32 s4;
	_ =	sdelay $0x1  }
0xa1: {  	s23 =	simm.s32 $0x1B8B  }
0xa2: {  	_ =	swait.ge [sflag:s23], $0x1  }
0xa3: {  	[sflag:s23] =	ssyncset.done $0x0  }
0xa4: {  	[sflag:s23] =	ssyncadd.s32 $0xFFFFFFFF  }
0xa5: {  	s4 =	sld [smem:$0x0]  }
0xa6: {  	s5 =	sand.u32 $0xFFFFFFFE, s1  }
0xa7: {  	p0 =	sne.s32 s1, s5  }
0xa8: {  	s5 =	sshll.u32 @p0 s5, $0xE  }
0xa9: {  	s5 =	sadd.s32 @p0 $0x11B8D, s5;
	s6 =	sshll.u32 @p0 s4, $0x11  }
0xaa: {  	s5 =	sor.u32 @p0 s6, s5  }
0xab: {  	[sflag:s5] =	ssyncadd.remote.s32 @p0 $0x1;
	_ =	sdelay $0x1  }
0xac: {  	s5 =	simm.s32 @p0 $0x1B8D  }
0xad: {  	_ =	swait.eq @p0 [sflag:s5], $0x1  }
0xae: {  	[sflag:s5] =	ssyncadd.s32 @p0 $0xFFFFFFFF  }
0xaf: {  	s6 =	sshll.u32 @!p0 s1, $0xE  }
0xb0: {  	s6 =	sor.u32 @!p0 $0x4000, s6;
	s5 =	simm.s32 @!p0 $0x1B8D  }
0xb1: {  	s4 =	sshll.u32 @!p0 s4, $0x11;
	s6 =	sadd.s32 @!p0 $0x11B8D, s6;
	_ =	swait.eq @!p0 [sflag:s5], $0x1  }
0xb2: {  	s4 =	sor.u32 @!p0 s4, s6;
	[sflag:s5] =	ssyncadd.s32 @!p0 $0xFFFFFFFF  }
0xb3: {  	s25 =	simm.s32 $0x1B8E;
	s24 =	sld [smem:$0x3FFE];
	[sflag:s4] =	ssyncadd.remote.s32 @!p0 $0x1  }
0xb4: {  	s26 =	simm.s32 $execute0_lowered;
	[smem:$0x3FD2] =	sst s25  }
0xb5: {  	s5 =	sshll.u32 s26, $0x1;
	_ =	strace $0x8000004F;
	[dreg:$0x1] =	wrdreg $0xFFFFFFFF  }
0xb6: {  	s28 =	simm.s32 $_size_execute0_lowered;
	s3 =	sadd.s32 s3, s5;
	[dreg:$0x0] =	wrdreg $0x0  }
0xb7: {  	s5 =	sshll.u32 s28, $0x1;
	[dreg:$0x2] =	wrdreg s3  }
0xb8: {  	[dreg:$0x3] =	wrdreg s5  }
0xb9: {  	[dreg:$0x4] =	wrdreg $0xC0  }
0xba: {  	_ =	task [dreg:s22], $0x5FFFF  }
0xbb: {  	[dreg:$0x1] =	wrdreg $0xFFFFFFFF  }
0xbc: {  	[dreg:$0x0] =	wrdreg $0x60  }
0xbd: {  	[dreg:$0x2] =	wrdreg s24  }
0xbe: {  	[dreg:$0x3] =	wrdreg $0xA  }
0xbf: {  	_ =	task.clear_ibuf [dreg:s22], $0x4FFFF;
	_ =	strace $0x9000004F  }
0xc0: {  	s29 =	simm.s32 $0xA;
	_ =	strace $0x80000051  }
0xc1: {  	_ =	swait.ge [sflag:s29], $0x1  }
0xc2: {  	[sflag:s29] =	ssyncadd.s32 $0xFFFFFFFF  }
0xc3: {  	_ =	strace $0x90000051  }
0xc4: {  	_ =	sfence  }
0xc5: {  	s30 =	sld [smem:$0x0];
	_ =	sdelay $0x2  }
0xc6: {  	s31 =	sshll.u32 s1, $0xD;
	s1 =	sshrl.u32 s1, $0x2  }
0xc7: {  	s4 =	sand.u32 $0x4000, s31;
	s1 =	sadd.s32 s1, s30  }
0xc8: {  	s0 =	sor.u32 s4, s0;
	s1 =	sshll.u32 s1, $0x11  }
0xc9: {  	s0 =	sor.u32 s1, s0  }
0xca: {  	s0 =	sadd.s32 $0x8F2B, s0  }
0xcb: {  	[sflag:s0] =	ssyncadd.remote.s32 $0x1  }
0xcc: {  	_ =	sfence.sel $0xFFFF  }
0xcd: {  	[dreg:$0x0] =	wrdreg $0xFFFFFFFF;
	(pc) =	sbr.abs _section_cstart, $3  }
0xce: {  	[dreg:$0x1] =	wrdreg $0xFFFFFFFF  }
0xcf: {  	_ =	task.clear_ibuf [dreg:s22], $0x2FFFF;
	_ =	strace $0x9FFFFFFF  }
0xd0: {  	(tm) =	ssettm $0x7FFFFFFF  }
0xd1: {  	_ =	shalt  }
tec
execute0_lowered:
.L_overlay_start_1:
0x0: {  	(tag) =	ssettag $0x1  }
0x1: {  	s1 =	srdreg.scid  }
0x2: {  	s0 =	stileid.u32;
	s9 =	rddreg [dreg:$0x0]  }
0x3: {  	s2 =	simm.s32 $0x0;
	s6 =	sand.u32 $0x1, s1;
	s30 =	sshll.u32 s0, $0x1  }
0x4: {  	s8 =	simm.s32 $0x1;
	s1 =	rddreg [dreg:$0x1];
	s7 =	sor.u32 s6, s30  }
0x5: {  	[smem:$0x7FF] =	sst s2;
	s5 =	sadd.s32 $0x15000, s9;
	s3 =	sshll.u32 s7, $0x4  }
0x6: {  	_ =	strace $0x80000050;
	s11 =	ssub.s32 $0x2, s6;
	s3 =	sadd.s32 s3, s9  }
0x7: {  	s6 =	simm.s32 $0x50;
	s4 =	sadd.s32 $0x14E00, s3;
	s3 =	simm.s32 $0x2  }
0x8: {  	[tilespmem:s2], [sflag:$0x2] =	stream.linear.gather [hbm4b:s4+s2], $0x80, $0x38;
	[tilespmem:$0x2880] =	vst v63  }
0x9: {  	s10 =	smul.u32 $0x500, s7;
	s12 =	sshrl.u32 s11, $0x1;
	_ =	swait.ge [sflag:s3], $0x80  }
0xa: {  	s7 =	simm.s32 $0x80;
	s31 =	ssub.s32 s11, s12;
	[sflag:s3] =	ssyncset.done $0x0  }
0xb: {  	s9 =	sadd.s32 s10, s9;
	s10 =	smax.u32 s31, $0x1;
	[sflag:s3] =	ssyncadd.s32 $0xFFFFFF80  }
0xc: {  	[tilespmem:s7], [sflag:$0x1] =	stream.indirect.gather [hbm4b:s5+s6], $0x80, s2, s6, $0xb8;
	[tilespmem:$0x2880] =	vst v63  }
0xd: {  	p0 =	sne.s32 s10, $0x1;
	_ =	swait.ge [sflag:s8], $0x2800  }
.Ltmp0:
0xe: {  	[sflag:s8] =	ssyncset.done $0x0;
	(pc) =	sbr.rel @!p0 .LBB2_2-.Ltmp0, $4  }
0xf: {  	s9 =	sadd.s32 $0x1D000, s9;
	[sflag:s8] =	ssyncadd.s32 $0xFFFFD800  }
0x10: {  	[hbm4b:s9+s2] =	stream.linear.scatter [tilespmem:s7], [sflag:$0x2], $0x2800, $0x38;
	[tilespmem:$0x2880] =	vst v63  }
0x11: {  	_ =	swait.ge [sflag:s3], $0x2800  }
0x12: {  	s10 =	sadd.s32 $0xFFFFFFFF, s10;
	[sflag:s3] =	ssyncset.done $0x0  }
.LBB2_1:
0x13: {  	p0 =	sne.s32 s10, $0x1;
	s10 =	sadd.s32 $0xFFFFFFFF, s10;
	[sflag:s3] =	ssyncadd.s32 $0xFFFFD800  }
0x14: {  	[tilespmem:s2], [sflag:$0x2] =	stream.linear.gather [hbm4b:s4+s2], $0x80, $0x38;
	[tilespmem:$0x2880] =	vst v63  }
0x15: {  	_ =	swait.ge [sflag:s3], $0x80  }
0x16: {  	[sflag:s3] =	ssyncset.done $0x0  }
0x17: {  	[sflag:s3] =	ssyncadd.s32 $0xFFFFFF80  }
0x18: {  	[tilespmem:s7], [sflag:$0x1] =	stream.indirect.gather [hbm4b:s5+s6], $0x80, s2, s6, $0xb8;
	[tilespmem:$0x2880] =	vst v63  }
0x19: {  	_ =	swait.ge [sflag:s8], $0x2800  }
.Ltmp1:
0x1a: {  	[sflag:s8] =	ssyncset.done $0x0;
	(pc) =	sbr.rel @p0 .LBB2_1-.Ltmp1, $4  }
0x1b: {  	[sflag:s8] =	ssyncadd.s32 $0xFFFFD800  }
0x1c: {  	[hbm4b:s9+s2] =	stream.linear.scatter [tilespmem:s7], [sflag:$0x2], $0x2800, $0x38;
	[tilespmem:$0x2880] =	vst v63  }
0x1d: {  	_ =	swait.ge [sflag:s3], $0x2800  }
0x1e: {  	[sflag:s3] =	ssyncset.done $0x0  }
.LBB2_2:
0x1f: {  	[sflag:s3] =	ssyncadd.s32 $0xFFFFD800  }
0x20: {  	_ =	sfence.sel $0x180000  }
0x21: {  	[bflag:$0x0] =	sbarrier.arrive $0xFFFF  }
0x22: {  	p0 =	sne.s32 s0, $0x0;
	_ =	strace $0x90000050  }
0x23: {  	s0 =	sadd.s32 @!p0 $0x100000, s1;
	[bflag:$0x2] =	sbarrier.arrive $0xFFFF  }
0x24: {  	[sflag:s0] =	ssyncadd.tile.s32 @!p0 $0x1;
	_ =	shalt  }
.Lfunc_end2:
_tile_overlayer_lowered:
.L_overlay_start_2:
0x25: {  	(tag) =	ssettag $0x2  }
0x26: {  	s0 =	rddreg [dreg:$0x0];
	s2 =	stileid.u32  }
0x27: {  	s1 =	rddreg [dreg:$0x1];
	p0 =	sne.s32 s2, $0x0  }
0x28: {  	s3 =	rddreg [dreg:$0x2];
	[bflag:$0x3] =	sbarrier.arrive $0xFFFF;
	s2 =	simm.s32 @!p0 $0x1C02  }
0x29: {  	[timem:s3], [sflag:s2] =	dma.local @!p0 [hbm:s0], s1  }
0x2a: {  	s0 =	simm.s32 @!p0 $0x2  }
0x2b: {  	_ =	swait.ge @!p0 [sflag:s0], s1  }
0x2c: {  	s1 =	ssub.s32 @!p0 $0x0, s1;
	[sflag:s0] =	ssyncset.done @!p0 $0x0  }
0x2d: {  	[sflag:s0] =	ssyncadd.s32 @!p0 s1  }
0x2e: {  	[bflag:$0x3] =	sbarrier.arrive $0xFFFF  }
0x2f: {  	_ =	shalt  }

// kernel: kernel.8.cloned.1.call-start
scs
__scs_entry_jumppad:
0x0: {  	(pc) =	sbr.rel $0x88, $3  }
0x1: {  	(tag) =	ssettag $0x0;
	lr =	simm.s32 $0x1  }
0x2: {  	[smem:$0x3F8E] =	sst lr;
	_ =	strace $0xD0000000  }
0x3: {  	_ = 	snop  }
0x4: {  	_ = 	snop  }
0x5: {  	_ = 	snop  }
0x6: {  	_ = 	snop  }
0x7: {  	_ = 	snop  }
__scs_overlays_trampoline_lowered:
0x8: {  	[smem:$0x3F9D] =	sst s0  }
0x9: {  	[smem:$0x3F9E] =	sst s1  }
0xa: {  	[smem:$0x3F9F] =	sst s2  }
0xb: {  	[smem:$0x3FA0] =	sst s3  }
0xc: {  	[smem:$0x3FA1] =	sst s4  }
0xd: {  	[smem:$0x3FA2] =	sst s5  }
0xe: {  	[smem:$0x3FA3] =	sst s6  }
0xf: {  	[smem:$0x3FA4] =	sst s7  }
0x10: {  	[smem:$0x3FA5] =	sst s8  }
0x11: {  	[smem:$0x3FA6] =	sst s9;
	s0 =	simm.s32 @!p0 $0x0  }
0x12: {  	s1 =	sld [smem:$0x3F8C];
	s0 =	simm.s32 @p0 $0x1  }
0x13: {  	[smem:$0x3FA7] =	sst s0;
	s0 =	simm.s32 @!p1 $0x0  }
0x14: {  	s2 =	sld [smem:$0x3F8B];
	s0 =	simm.s32 @p1 $0x1  }
0x15: {  	[smem:$0x3FA8] =	sst s0;
	s0 =	simm.s32 @!p2 $0x0  }
0x16: {  	s3 =	sld [smem:$0x3FDB];
	s0 =	simm.s32 @p2 $0x1  }
0x17: {  	s4 =	simm.s32 $0x1BF5;
	[smem:$0x3FAA] =	sst s0  }
0x18: {  	s0 =	sld [smem:$0x3F8D];
	_ =	swait.ge [sflag:s4], $0x0  }
0x19: {  	s7 =	sld [smem:$0x3F8E]  }
0x1a: {  	s8 =	sadd.s32 $0xFFFFE003, lr  }
0x1b: {  	s9 =	sadd.s32 $0xFFFFFEF7, lr;
	s5 =	simm.s32 $0xFFFFFFFF;
	p2 =	slt.u32 s8, $0xFFFFF086  }
0x1c: {  	p1 =	slt.u32 s9, $0xF7A;
	s5 =	simm.s32 @!p2 $0x0  }
0x1d: {  	s5 =	simm.s32 @p1 $0x1;
	p0 =	seq.s32 s7, s2  }
0x1e: {  	s7 =	smul.u32 @!p0 $0xF7A, s2;
	p2 =	seq.s32 @!p0 s5, $0x0  }
0x1f: {  	s9 =	smul.u32 $0xF7A, s1;
	s8 =	simm.s32 @!p0 $0x1BF5;
	p2 =	por !p2, p0  }
0x20: {  	[sflag:s8] =	ssyncset.s32 @!p0 $0xFFFFF086;
	s6 =	sadd.s32 @!p0 s3, s7;
	s7 =	simm.s32 @!p0 $0x108  }
0x21: {  	s3 =	sadd.s32 s3, s9;
	s6 =	sadd.s32 @!p0 $0x88, s6;
	s7 =	simm.s32 @p2 $0x1082  }
0x22: {  	[simem:s7], [sflag:s8] =	dma.local @!p0 [hbm:s6], $0xF7A  }
0x23: {  	s9 =	sor.u32 $0xD0000000, s2;
	s6 =	simm.s32 $0x108;
	_ =	swait.ge @!p0 [sflag:s8], $0x0  }
0x24: {  	s3 =	sadd.s32 $0x88, s3;
	s6 =	simm.s32 @!p1 $0x1082;
	[sflag:s4] =	ssyncset.s32 $0xFFFFF086  }
0x25: {  	[simem:s6], [sflag:s4] =	dma.local [hbm:s3], $0xF7A  }
0x26: {  	[smem:$0x3F8E] =	sst s1;
	(tag) =	ssettag s2;
	_ =	strace s9  }
0x27: {  	s1 =	sld [smem:$0x3F9E]  }
0x28: {  	s2 =	sld [smem:$0x3F9F]  }
0x29: {  	s4 =	sld [smem:$0x3FA1]  }
0x2a: {  	p0 =	seq.s32 s5, $0x0;
	s5 =	sld [smem:$0x3FA2]  }
0x2b: {  	s6 =	sld [smem:$0x3FA3]  }
0x2c: {  	s7 =	sld [smem:$0x3FA4]  }
0x2d: {  	s3 =	simm.s32 $0x108;
	s8 =	sld [smem:$0x3FA5]  }
0x2e: {  	s3 =	simm.s32 @!p0 $0x1082;
	s9 =	sld [smem:$0x3FA6]  }
0x2f: {  	lr =	sadd.s32 s0, s3;
	s0 =	sld [smem:$0x3F9D]  }
0x30: {  	s3 =	sld [smem:$0x3FA0]  }
0x31: {  	[smem:$0x3FA9] =	sst s10  }
0x32: {  	s10 =	sld [smem:$0x3FA7];
	_ =	sdelay $0x3  }
0x33: {  	p0 =	seq.s32 s10, $0x1;
	s10 =	sld [smem:$0x3FA9];
	_ =	sdelay $0x3  }
0x34: {  	[smem:$0x3FA9] =	sst s10  }
0x35: {  	s10 =	sld [smem:$0x3FA8];
	_ =	sdelay $0x3  }
0x36: {  	p1 =	seq.s32 s10, $0x1;
	s10 =	sld [smem:$0x3FA9];
	_ =	sdelay $0x3  }
0x37: {  	[smem:$0x3FA9] =	sst s10  }
0x38: {  	s10 =	sld [smem:$0x3FAA]  }
0x39: {  	_ = 	snop;
	(pc) =	sbr.ind lr, $3  }
0x3a: {  	_ = 	snop  }
0x3b: {  	_ = 	snop  }
0x3c: {  	p2 =	seq.s32 s10, $0x1;
	s10 =	sld [smem:$0x3FA9]  }
0x3d: {  	_ =	shalt  }
0x3e: {  	_ =	shalt  }
0x3f: {  	_ =	shalt  }
0x40: {  	_ =	shalt  }
0x41: {  	_ =	shalt  }
0x42: {  	_ =	shalt  }
0x43: {  	_ =	shalt  }
0x44: {  	_ =	shalt  }
0x45: {  	_ =	shalt  }
0x46: {  	_ =	shalt  }
0x47: {  	_ =	shalt  }
0x48: {  	_ =	shalt  }
0x49: {  	_ =	shalt  }
0x4a: {  	_ =	shalt  }
0x4b: {  	_ =	shalt  }
0x4c: {  	_ =	shalt  }
0x4d: {  	_ =	shalt  }
0x4e: {  	_ =	shalt  }
0x4f: {  	_ =	shalt  }
0x50: {  	_ =	shalt  }
0x51: {  	_ =	shalt  }
0x52: {  	_ =	shalt  }
0x53: {  	_ =	shalt  }
0x54: {  	_ =	shalt  }
0x55: {  	_ =	shalt  }
0x56: {  	_ =	shalt  }
0x57: {  	_ =	shalt  }
0x58: {  	_ =	shalt  }
0x59: {  	_ =	shalt  }
0x5a: {  	_ =	shalt  }
0x5b: {  	_ =	shalt  }
0x5c: {  	_ =	shalt  }
0x5d: {  	_ =	shalt  }
0x5e: {  	_ =	shalt  }
0x5f: {  	_ =	shalt  }
0x60: {  	_ =	shalt  }
0x61: {  	_ =	shalt  }
0x62: {  	_ =	shalt  }
0x63: {  	_ =	shalt  }
0x64: {  	_ =	shalt  }
0x65: {  	_ =	shalt  }
0x66: {  	_ =	shalt  }
0x67: {  	_ =	shalt  }
0x68: {  	_ =	shalt  }
0x69: {  	_ =	shalt  }
0x6a: {  	_ =	shalt  }
0x6b: {  	_ =	shalt  }
0x6c: {  	_ =	shalt  }
0x6d: {  	_ =	shalt  }
0x6e: {  	_ =	shalt  }
0x6f: {  	_ =	shalt  }
0x70: {  	_ =	shalt  }
0x71: {  	_ =	shalt  }
0x72: {  	_ =	shalt  }
0x73: {  	_ =	shalt  }
0x74: {  	_ =	shalt  }
0x75: {  	_ =	shalt  }
0x76: {  	_ =	shalt  }
0x77: {  	_ =	shalt  }
0x78: {  	_ =	shalt  }
0x79: {  	_ =	shalt  }
0x7a: {  	_ =	shalt  }
0x7b: {  	_ =	shalt  }
0x7c: {  	_ =	shalt  }
0x7d: {  	_ =	shalt  }
0x7e: {  	_ =	shalt  }
0x7f: {  	_ =	shalt  }
0x80: {  	_ =	shalt  }
0x81: {  	_ =	shalt  }
0x82: {  	_ =	shalt  }
0x83: {  	_ =	shalt  }
0x84: {  	_ =	shalt  }
0x85: {  	_ =	shalt  }
0x86: {  	_ =	shalt  }
0x87: {  	_ =	shalt  }
.Lfunc_end0:
.L_simem_size_0:
called_computation.1_lowered:
.L_overlay_start_0:
0x88: {  	s2 =	sld [smem:$0x3FD9]  }
0x89: {  	s3 =	sld [smem:$0x3FFE];
	_ =	sdelay $0x1  }
0x8a: {  	s1 =	srdreg.scid  }
0x8b: {  	s0 =	sand.u32 $0x1, s1  }
0x8c: {  	s17 =	sshll.u32 s0, $0xA;
	s2 =	sadd.s32 s3, s2  }
0x8d: {  	s2 =	sadd.s32 s2, s17  }
0x8e: {  	[smem:$0x3FB5] =	sst s2  }
0x8f: {  	_ = 	snop  }
0x90: {  	s2 =	sld [smem:$0x3FC9];
	(tm) =	ssettm $0x1  }
0x91: {  	s18 =	sld [smem:$0x3FFB];
	_ =	sdelay $0x3  }
0x92: {  	_ =	strace s18  }
0x93: {  	s3 =	sld [smem:$0x3FFC];
	_ =	sdelay $0x3  }
0x94: {  	_ =	strace s3  }
0x95: {  	s3 =	sld [smem:$0x3FFD];
	_ =	sdelay $0x3  }
0x96: {  	_ =	strace s3  }
0x97: {  	_ =	strace $0x8FFFFFFF  }
0x98: {  	s19 =	sld [smem:$0x3FDB];
	_ =	sdelay $0x1  }
0x99: {  	s4 =	simm.s32 $_scs_section_size  }
0x9a: {  	s5 =	simm.s32 $_size__tile_overlayer_lowered;
	s6 =	simm.s32 $_tile_overlayer_lowered  }
0x9b: {  	s22 =	simm.s32 $0x1BFF;
	s21 =	sshll.u32 s6, $0x1;
	s3 =	sadd.s32 s4, s19  }
0x9c: {  	s7 =	simm.s32 $0x0;
	s20 =	sshll.u32 s5, $0x1;
	s5 =	sadd.s32 s21, s3  }
0x9d: {  	[timem:s7], [sflag:s22] =	dma.local [hbm:s5], s20  }
0x9e: {  	_ =	swait.ge [sflag:s22], s20  }
0x9f: {  	s4 =	ssub.s32 $0x0, s20;
	[sflag:s22] =	ssyncset.done $0x0  }
0xa0: {  	[sflag:s22] =	ssyncadd.s32 s4;
	_ =	sdelay $0x1  }
0xa1: {  	s23 =	simm.s32 $0x1B8B  }
0xa2: {  	_ =	swait.ge [sflag:s23], $0x1  }
0xa3: {  	[sflag:s23] =	ssyncset.done $0x0  }
0xa4: {  	s25 =	simm.s32 $0x1B8E;
	s24 =	sld [smem:$0x3FFE];
	[sflag:s23] =	ssyncadd.s32 $0xFFFFFFFF  }
0xa5: {  	s26 =	simm.s32 $execute0_lowered;
	[smem:$0x3FD2] =	sst s25  }
0xa6: {  	s5 =	sshll.u32 s26, $0x1;
	_ =	strace $0x80000049;
	[dreg:$0x1] =	wrdreg $0xFFFFFFFF  }
0xa7: {  	s28 =	simm.s32 $_size_execute0_lowered;
	s3 =	sadd.s32 s3, s5;
	[dreg:$0x0] =	wrdreg $0x0  }
0xa8: {  	s5 =	sshll.u32 s28, $0x1;
	[dreg:$0x2] =	wrdreg s3  }
0xa9: {  	[dreg:$0x3] =	wrdreg s5  }
0xaa: {  	[dreg:$0x4] =	wrdreg $0xC0  }
0xab: {  	_ =	task [dreg:s7], $0x5FFFF  }
0xac: {  	[dreg:$0x1] =	wrdreg $0xFFFFFFFF  }
0xad: {  	[dreg:$0x0] =	wrdreg $0x60  }
0xae: {  	[dreg:$0x2] =	wrdreg s2  }
0xaf: {  	[dreg:$0x3] =	wrdreg s24  }
0xb0: {  	[dreg:$0x4] =	wrdreg $0x9  }
0xb1: {  	_ =	task.clear_ibuf [dreg:s7], $0x5FFFF;
	_ =	strace $0x90000049  }
0xb2: {  	s29 =	simm.s32 $0x9;
	_ =	strace $0x8000004B  }
0xb3: {  	_ =	swait.ge [sflag:s29], $0x1  }
0xb4: {  	[sflag:s29] =	ssyncadd.s32 $0xFFFFFFFF  }
0xb5: {  	_ =	strace $0x9000004B  }
0xb6: {  	_ =	sfence  }
0xb7: {  	s30 =	sld [smem:$0x0];
	_ =	sdelay $0x2  }
0xb8: {  	s31 =	sshll.u32 s1, $0xD;
	s1 =	sshrl.u32 s1, $0x2  }
0xb9: {  	s3 =	sand.u32 $0x4000, s31;
	s1 =	sadd.s32 s1, s30  }
0xba: {  	s0 =	sor.u32 s3, s0;
	s1 =	sshll.u32 s1, $0x11  }
0xbb: {  	s0 =	sor.u32 s1, s0  }
0xbc: {  	s0 =	sadd.s32 $0x8F2B, s0  }
0xbd: {  	[sflag:s0] =	ssyncadd.remote.s32 $0x1  }
0xbe: {  	_ =	sfence.sel $0xFFFF  }
0xbf: {  	[dreg:$0x0] =	wrdreg $0xFFFFFFFF;
	(pc) =	sbr.abs _section_cstart, $3  }
0xc0: {  	[dreg:$0x1] =	wrdreg $0xFFFFFFFF  }
0xc1: {  	_ =	task.clear_ibuf [dreg:s7], $0x2FFFF;
	_ =	strace $0x9FFFFFFF  }
0xc2: {  	(tm) =	ssettm $0x7FFFFFFF  }
0xc3: {  	_ =	shalt  }
tec
execute0_lowered:
.L_overlay_start_1:
0x0: {  	(tag) =	ssettag $0x1  }
0x1: {  	s1 =	srdreg.scid;
	s0 =	stileid.u32  }
0x2: {  	s2 =	rddreg [dreg:$0x0];
	s16 =	sand.u32 $0x1, s1;
	s29 =	sshll.u32 s0, $0x1  }
0x3: {  	s17 =	rddreg [dreg:$0x1];
	s18 =	sor.u32 s16, s29  }
0x4: {  	s3 =	simm.s32 $0x0;
	s1 =	rddreg [dreg:$0x2];
	s4 =	sshll.u32 s18, $0x7  }
0x5: {  	[smem:$0x7FF] =	sst s3;
	s4 =	sadd.s32 s4, s17  }
0x6: {  	_ =	strace $0x8000004A;
	s5 =	sadd.s32 $0x2E00, s4;
	s4 =	simm.s32 $0x2  }
0x7: {  	[tilespmem:s3], [sflag:$0x2] =	stream.linear.gather [hbm4b:s5+s3], $0x280, $0x38;
	[tilespmem:$0x14400] =	vst v63  }
0x8: {  	_ =	swait.ge [sflag:s4], $0x280  }
0x9: {  	[sflag:s4] =	ssyncset.done $0x0  }
0xa: {  	s6 =	simm.s32 $0x80;
	s7 =	simm.s32 $0x400;
	[sflag:s4] =	ssyncadd.s32 $0xFFFFFD80  }
0xb: {  	[tilespmem:s7], [sflag:$0x1] =	stream.indirect.gather [hbm4b:s2+s6], $0x80, s3, s6, $0xb8;
	[tilespmem:$0x14400] =	vst v63  }
0xc: {  	s8 =	simm.s32 $0x4400  }
0xd: {  	[tilespmem:s8], [sflag:$0x1] =	stream.indirect.gather [hbm4b:s2+s6], $0x80, s6, s6, $0xb8;
	[tilespmem:$0x14400] =	vst v63  }
0xe: {  	s9 =	simm.s32 $0x100;
	s10 =	simm.s32 $0x8400  }
0xf: {  	[tilespmem:s10], [sflag:$0x1] =	stream.indirect.gather [hbm4b:s2+s6], $0x80, s9, s6, $0xb8;
	[tilespmem:$0x14400] =	vst v63  }
0x10: {  	s11 =	simm.s32 $0x180;
	s12 =	simm.s32 $0xC400  }
0x11: {  	[tilespmem:s12], [sflag:$0x1] =	stream.indirect.gather [hbm4b:s2+s6], $0x80, s11, s6, $0xb8;
	[tilespmem:$0x14400] =	vst v63  }
0x12: {  	s13 =	simm.s32 $0x200;
	s14 =	simm.s32 $0x10400;
	s15 =	simm.s32 $0x1  }
0x13: {  	[tilespmem:s14], [sflag:$0x1] =	stream.indirect.gather [hbm4b:s2+s6], $0x80, s13, s6, $0xb8;
	[tilespmem:$0x14400] =	vst v63  }
0x14: {  	_ =	swait.ge [sflag:s15], $0x4000  }
0x15: {  	[sflag:s15] =	ssyncset.done $0x0  }
0x16: {  	[sflag:s15] =	ssyncadd.s32 $0xFFFFC000  }
0x17: {  	_ =	swait.ge [sflag:s15], $0x4000  }
0x18: {  	[sflag:s15] =	ssyncset.done $0x0  }
0x19: {  	[sflag:s15] =	ssyncadd.s32 $0xFFFFC000  }
0x1a: {  	_ =	swait.ge [sflag:s15], $0x4000  }
0x1b: {  	[sflag:s15] =	ssyncset.done $0x0  }
0x1c: {  	s16 =	ssub.s32 $0x2, s16;
	[sflag:s15] =	ssyncadd.s32 $0xFFFFC000  }
0x1d: {  	s19 =	sshrl.u32 s16, $0x1;
	_ =	swait.ge [sflag:s15], $0x4000  }
0x1e: {  	s30 =	ssub.s32 s16, s19;
	[sflag:s15] =	ssyncset.done $0x0  }
0x1f: {  	s18 =	smul.u32 $0x2800, s18;
	s31 =	smax.u32 s30, $0x1;
	[sflag:s15] =	ssyncadd.s32 $0xFFFFC000  }
0x20: {  	p0 =	sne.s32 s31, $0x1;
	_ =	swait.ge [sflag:s15], $0x4000  }
.Ltmp0:
0x21: {  	s17 =	sadd.s32 s18, s17;
	[sflag:s15] =	ssyncset.done $0x0;
	(pc) =	sbr.rel @!p0 .LBB2_2-.Ltmp0, $4  }
0x22: {  	s16 =	sadd.s32 $0x3E00, s17;
	[sflag:s15] =	ssyncadd.s32 $0xFFFFC000  }
0x23: {  	[hbm4b:s16+s3] =	stream.linear.scatter [tilespmem:s7], [sflag:$0x2], $0x14000, $0x38;
	[tilespmem:$0x14400] =	vst v63  }
0x24: {  	_ =	swait.ge [sflag:s4], $0x14000  }
0x25: {  	s17 =	sadd.s32 $0xFFFFFFFF, s31;
	[sflag:s4] =	ssyncset.done $0x0  }
.LBB2_1:
0x26: {  	p0 =	sne.s32 s17, $0x1;
	s17 =	sadd.s32 $0xFFFFFFFF, s17;
	[sflag:s4] =	ssyncadd.s32 $0xFFFEC000  }
0x27: {  	[tilespmem:s3], [sflag:$0x2] =	stream.linear.gather [hbm4b:s5+s3], $0x280, $0x38;
	[tilespmem:$0x14400] =	vst v63  }
0x28: {  	_ =	swait.ge [sflag:s4], $0x280  }
0x29: {  	[sflag:s4] =	ssyncset.done $0x0  }
0x2a: {  	[sflag:s4] =	ssyncadd.s32 $0xFFFFFD80  }
0x2b: {  	[tilespmem:s7], [sflag:$0x1] =	stream.indirect.gather [hbm4b:s2+s6], $0x80, s3, s6, $0xb8;
	[tilespmem:$0x14400] =	vst v63  }
0x2c: {  	_ = 	snop  }
0x2d: {  	[tilespmem:s8], [sflag:$0x1] =	stream.indirect.gather [hbm4b:s2+s6], $0x80, s6, s6, $0xb8;
	[tilespmem:$0x14400] =	vst v63  }
0x2e: {  	_ = 	snop  }
0x2f: {  	[tilespmem:s10], [sflag:$0x1] =	stream.indirect.gather [hbm4b:s2+s6], $0x80, s9, s6, $0xb8;
	[tilespmem:$0x14400] =	vst v63  }
0x30: {  	_ = 	snop  }
0x31: {  	[tilespmem:s12], [sflag:$0x1] =	stream.indirect.gather [hbm4b:s2+s6], $0x80, s11, s6, $0xb8;
	[tilespmem:$0x14400] =	vst v63  }
0x32: {  	_ = 	snop  }
0x33: {  	[tilespmem:s14], [sflag:$0x1] =	stream.indirect.gather [hbm4b:s2+s6], $0x80, s13, s6, $0xb8;
	[tilespmem:$0x14400] =	vst v63  }
0x34: {  	_ =	swait.ge [sflag:s15], $0x4000  }
0x35: {  	[sflag:s15] =	ssyncset.done $0x0  }
0x36: {  	[sflag:s15] =	ssyncadd.s32 $0xFFFFC000  }
0x37: {  	_ =	swait.ge [sflag:s15], $0x4000  }
0x38: {  	[sflag:s15] =	ssyncset.done $0x0  }
0x39: {  	[sflag:s15] =	ssyncadd.s32 $0xFFFFC000  }
0x3a: {  	_ =	swait.ge [sflag:s15], $0x4000  }
0x3b: {  	[sflag:s15] =	ssyncset.done $0x0  }
0x3c: {  	[sflag:s15] =	ssyncadd.s32 $0xFFFFC000  }
0x3d: {  	_ =	swait.ge [sflag:s15], $0x4000  }
0x3e: {  	[sflag:s15] =	ssyncset.done $0x0  }
0x3f: {  	[sflag:s15] =	ssyncadd.s32 $0xFFFFC000  }
0x40: {  	_ =	swait.ge [sflag:s15], $0x4000  }
.Ltmp1:
0x41: {  	[sflag:s15] =	ssyncset.done $0x0;
	(pc) =	sbr.rel @p0 .LBB2_1-.Ltmp1, $4  }
0x42: {  	[sflag:s15] =	ssyncadd.s32 $0xFFFFC000  }
0x43: {  	[hbm4b:s16+s3] =	stream.linear.scatter [tilespmem:s7], [sflag:$0x2], $0x14000, $0x38;
	[tilespmem:$0x14400] =	vst v63  }
0x44: {  	_ =	swait.ge [sflag:s4], $0x14000  }
0x45: {  	[sflag:s4] =	ssyncset.done $0x0  }
.LBB2_2:
0x46: {  	[sflag:s4] =	ssyncadd.s32 $0xFFFEC000  }
0x47: {  	_ =	sfence.sel $0x180000  }
0x48: {  	[bflag:$0x0] =	sbarrier.arrive $0xFFFF  }
0x49: {  	p0 =	sne.s32 s0, $0x0;
	_ =	strace $0x9000004A  }
0x4a: {  	s0 =	sadd.s32 @!p0 $0x100000, s1;
	[bflag:$0x2] =	sbarrier.arrive $0xFFFF  }
0x4b: {  	[sflag:s0] =	ssyncadd.tile.s32 @!p0 $0x1;
	_ =	shalt  }
.Lfunc_end2:
_tile_overlayer_lowered:
.L_overlay_start_2:
0x4c: {  	(tag) =	ssettag $0x2  }
0x4d: {  	s0 =	rddreg [dreg:$0x0];
	s2 =	stileid.u32  }
0x4e: {  	s1 =	rddreg [dreg:$0x1];
	p0 =	sne.s32 s2, $0x0  }
0x4f: {  	s3 =	rddreg [dreg:$0x2];
	[bflag:$0x3] =	sbarrier.arrive $0xFFFF;
	s2 =	simm.s32 @!p0 $0x1C02  }
0x50: {  	[timem:s3], [sflag:s2] =	dma.local @!p0 [hbm:s0], s1  }
0x51: {  	s0 =	simm.s32 @!p0 $0x2  }
0x52: {  	_ =	swait.ge @!p0 [sflag:s0], s1  }
0x53: {  	s1 =	ssub.s32 @!p0 $0x0, s1;
	[sflag:s0] =	ssyncset.done @!p0 $0x0  }
0x54: {  	[sflag:s0] =	ssyncadd.s32 @!p0 s1  }
0x55: {  	[bflag:$0x3] =	sbarrier.arrive $0xFFFF  }
0x56: {  	_ =	shalt  }

</sc_bundles>
